<compile_context>
chip_gen: v7x
topology: tpu7x:2x2x1
jax: 0.10.2.dev20260603
libtpu: 0.0.44.dev20260713+nightly
codegen_flags: <defaults>
</compile_context>

<pallas_src>
import functools

import jax
import jax.numpy as jnp
from jax import lax
from jax.experimental import pallas as pl
from jax.experimental.pallas import tpu as pltpu
from jax.experimental.pallas import tpu_sc as plsc

N = 10000
D = 128
K = 32
F = K * D
NW = 32
NPAD = 10240
BPW = NPAD // NW
CHUNK = 128
NODES_PER_CHUNK = CHUNK // K
NCHUNK = BPW * K // CHUNK


KB = 8


def _matmul_body(x_ref, w_ref, b_ref, y_ref):
    y = jnp.dot(x_ref[...], w_ref[...], preferred_element_type=jnp.float32)
    for kk in range(KB):
        blk = y[:, kk * D:(kk + 1) * D]
        if kk == 0:
            @pl.when(pl.program_id(0) == 0)
            def _():
                y_ref[0] = blk + b_ref[...]

            @pl.when(pl.program_id(0) != 0)
            def _():
                y_ref[0] = blk
        else:
            y_ref[kk] = blk


def _tc_matmul(x, wr, brow):
    MB = 1000
    return pl.pallas_call(
        _matmul_body,
        grid=(K // KB, N // MB),
        in_specs=[
            pl.BlockSpec((MB, D), lambda kb, i: (i, 0)),
            pl.BlockSpec((D, KB * D), lambda kb, i: (0, kb)),
            pl.BlockSpec((1, D), lambda kb, i: (0, 0)),
        ],
        out_specs=pl.BlockSpec((KB, MB, D), lambda kb, i: (kb, i, 0)),
        out_shape=jax.ShapeDtypeStruct((K, N, D), jnp.float32),
        compiler_params=pltpu.CompilerParams(
            dimension_semantics=("parallel", "parallel")
        ),
    )(x, wr, brow)


DEPTH = 6
GCHUNKS = tuple((c * 64, 64) for c in range(BPW // 64))


def _sc_bag(y4_hbm, fidx_hbm, out_hbm, idx_v, out_v, sem):
    wid = lax.axis_index("s") * 2 + lax.axis_index("c")
    base = wid * BPW
    pltpu.sync_copy(fidx_hbm.at[wid], idx_v)

    def fire(k, add):
        for off, sz in GCHUNKS:
            sl = pl.ds(off, sz)
            pltpu.async_copy(
                y4_hbm.at[idx_v.at[k, sl]], out_v.at[sl], sem, add=add
            )

    def drain():
        for off, sz in GCHUNKS:
            sl = pl.ds(0, sz)
            pltpu.make_async_copy(y4_hbm.at[sl], out_v.at[sl], sem).wait()

    fire(0, False)
    drain()
    for k in range(1, 1 + DEPTH):
        fire(k, True)

    def k_body(k, carry):
        fire(k, True)
        drain()
        return carry

    lax.fori_loop(1 + DEPTH, K, k_body, 0)
    for _ in range(DEPTH):
        drain()
    pltpu.sync_copy(out_v, out_hbm.at[pl.ds(base, BPW)])


@functools.cache
def _sc_bag_call():
    return pl.kernel(
        _sc_bag,
        out_type=jax.ShapeDtypeStruct((NPAD, D), jnp.float32),
        mesh=plsc.VectorSubcoreMesh(core_axis_name="c", subcore_axis_name="s"),
        scratch_types=[
            pltpu.VMEM((K, BPW), jnp.int32),
            pltpu.VMEM((BPW, D), jnp.float32),
            pltpu.SemaphoreType.DMA,
        ],
    )


def kernel(x, neigh_sorted_orders, W, b):
    idx = neigh_sorted_orders.astype(jnp.int32)
    wr = W.reshape(D, K, D).transpose(2, 1, 0).reshape(D, F)
    brow = b.reshape(1, D)
    y = _tc_matmul(x, wr, brow)
    y4 = y.reshape(K * N, D)
    fidx = idx + N * jnp.arange(K, dtype=jnp.int32)[None, :]
    fidx = jnp.pad(fidx, ((0, NPAD - N), (0, 0)))
    fidx = fidx.reshape(NW, BPW, K).transpose(0, 2, 1)
    out = _sc_bag_call()(y4, fidx)
    return out[:N]

# --- scband reference (transcript-rebuilt; emitter-appended) ---
"""Pipeline reference for scband-graph-one-ring-conv-26388279067292 (READ-ONLY COPY).

The authoritative reference and input builder live on the scoring server;
editing this copy changes nothing except your own understanding.
"""

import jax, jax.numpy as jnp
import numpy as np

N = 10000
IN_FEATS = 128
OUT_FEATS = 128
NUM_NEIGHBORS = 32


def setup_inputs(seed: int = 0) -> dict:
    key = jax.random.key(seed)
    k1, k2, k3, k4 = jax.random.split(key, 4)
    x = jax.random.normal(k1, (N, IN_FEATS), dtype=jnp.float32)
    neigh_sorted_orders = jax.random.randint(k2, (N, NUM_NEIGHBORS), 0, N, dtype=jnp.int64)
    # nn.Linear(num_neighbors*in_feats, out_feats): weight [out, K*in], bias [out]
    fan_in = NUM_NEIGHBORS * IN_FEATS
    bound = 1.0 / np.sqrt(fan_in)
    W = jax.random.uniform(k3, (OUT_FEATS, fan_in), minval=-bound, maxval=bound, dtype=jnp.float32)
    b = jax.random.uniform(k4, (OUT_FEATS,), minval=-bound, maxval=bound, dtype=jnp.float32)
    return {"x": x, "neigh_sorted_orders": neigh_sorted_orders, "W": W, "b": b}


def reference(x, neigh_sorted_orders, W, b):
    # gather neighbor features: [N, K, in_feats] -> [N, K*in_feats]
    mat = jnp.take(x, neigh_sorted_orders, axis=0).reshape(x.shape[0], NUM_NEIGHBORS * IN_FEATS)
    # Linear layer: mat @ W.T + b
    out_features = mat @ W.T + b
    return out_features

if __name__ == "__main__":
    import jax
    _d = setup_inputs()
    print(jax.jit(kernel)(*tuple(_d.values())))

</pallas_src>

<mosaic_0001>
#map = affine_map<(d0, d1) -> (0, 0)>
#map1 = affine_map<(d0, d1) -> (0, 0, 0)>
module attributes {stable_mosaic.version = 14 : i64} {
  func.func @_sc_bag(%arg0: i32, %arg1: i32, %arg2: memref<320000x128xf32, #tpu.memory_space<hbm>>, %arg3: memref<32x32x320xi32, #tpu.memory_space<hbm>>, %arg4: memref<10240x128xf32, #tpu.memory_space<hbm>>, %arg5: memref<32x320xi32, #tpu.memory_space<vmem>>, %arg6: memref<320x128xf32, #tpu.memory_space<vmem>>, %arg7: memref<!tpu.dma_semaphore, #tpu.memory_space<semaphore_mem>>) attributes {dimension_semantics = [#tpu.dimension_semantics<core_parallel>, #tpu.dimension_semantics<subcore_parallel>], iteration_bounds = array<i64: 2, 16>, scalar_prefetch = 0 : i64, scratch_operands = 3 : i64, tpu.core_type = #tpu.core_type<sc_vector_subcore>, window_params = [{transform_indices = #map}, {transform_indices = #map1}, {transform_indices = #map}]} {
    %mul3A = arith.constant 2 : i32
    %mul3A_0 = arith.muli %arg1, %mul3A : i32
    %add3A = arith.addi %mul3A_0, %arg0 : i32
    %mul3A_1 = arith.constant 320 : i32
    %mul3A_2 = arith.muli %add3A, %mul3A_1 : i32
    "tpu.region"() ({
      %run_scoped3A = tpu.sem_alloc : memref<!tpu.dma_semaphore, #tpu.memory_space<semaphore_mem>>
      %dma_start3A_776 = arith.constant 0 : i32
      %dma_start3A_777 = arith.constant 0 : i32
      %dma_start3A_778 = tpu.memref_slice %arg3[%add3A, %dma_start3A_776, %dma_start3A_777] : memref<32x32x320xi32, #tpu.memory_space<hbm>> -> memref<1x32x320xi32, #tpu.memory_space<hbm>>
      %dma_start3A_779 = tpu.memref_squeeze %dma_start3A_778 : memref<1x32x320xi32, #tpu.memory_space<hbm>> -> memref<32x320xi32, #tpu.memory_space<hbm>>
      %dma_start3A_780 = arith.constant 0 : i32
      %dma_start3A_781 = arith.constant 0 : i32
      %dma_start3A_782 = tpu.memref_slice %arg3[%add3A, %dma_start3A_780, %dma_start3A_781] : memref<32x32x320xi32, #tpu.memory_space<hbm>> -> memref<1x32x320xi32, #tpu.memory_space<hbm>>
      %dma_start3A_783 = tpu.memref_squeeze %dma_start3A_782 : memref<1x32x320xi32, #tpu.memory_space<hbm>> -> memref<32x320xi32, #tpu.memory_space<hbm>>
      tpu.enqueue_dma source(%dma_start3A_783 : memref<32x320xi32, #tpu.memory_space<hbm>>) target(%arg5 : memref<32x320xi32, #tpu.memory_space<vmem>>) target_semaphore(%run_scoped3A : memref<!tpu.dma_semaphore, #tpu.memory_space<semaphore_mem>>)
      %dma_wait3A_784 = arith.constant 0 : i32
      %dma_wait3A_785 = arith.constant 0 : i32
      %dma_wait3A_786 = tpu.memref_slice %arg3[%add3A, %dma_wait3A_784, %dma_wait3A_785] : memref<32x32x320xi32, #tpu.memory_space<hbm>> -> memref<1x32x320xi32, #tpu.memory_space<hbm>>
      %dma_wait3A_787 = tpu.memref_squeeze %dma_wait3A_786 : memref<1x32x320xi32, #tpu.memory_space<hbm>> -> memref<32x320xi32, #tpu.memory_space<hbm>>
      %dma_wait3A_788 = arith.constant 0 : i32
      %dma_wait3A_789 = arith.constant 0 : i32
      %dma_wait3A_790 = tpu.memref_slice %arg3[%add3A, %dma_wait3A_788, %dma_wait3A_789] : memref<32x32x320xi32, #tpu.memory_space<hbm>> -> memref<1x32x320xi32, #tpu.memory_space<hbm>>
      %dma_wait3A_791 = tpu.memref_squeeze %dma_wait3A_790 : memref<1x32x320xi32, #tpu.memory_space<hbm>> -> memref<32x320xi32, #tpu.memory_space<hbm>>
      tpu.wait_dma2 semaphore(%run_scoped3A : memref<!tpu.dma_semaphore, #tpu.memory_space<semaphore_mem>>) src(%dma_wait3A_791 : memref<32x320xi32, #tpu.memory_space<hbm>>) dst(%arg5 : memref<32x320xi32, #tpu.memory_space<vmem>>)
      tpu.yield
    }) : () -> ()
    %dma_start3A = arith.constant 0 : i32
    %dma_start3A_3 = arith.constant 0 : i32
    %dma_start3A_4 = arith.constant 0 : i32
    %dma_start3A_5 = tpu.memref_slice %arg6[%dma_start3A_3, %dma_start3A_4] : memref<320x128xf32, #tpu.memory_space<vmem>> -> memref<64x128xf32, #tpu.memory_space<vmem>>
    %dma_start3A_6 = arith.constant 0 : i32
    %dma_start3A_7 = tpu.memref_slice %arg5[%dma_start3A, %dma_start3A_6] : memref<32x320xi32, #tpu.memory_space<vmem>> -> memref<1x64xi32, #tpu.memory_space<vmem>>
    %dma_start3A_8 = tpu.memref_squeeze %dma_start3A_7 : memref<1x64xi32, #tpu.memory_space<vmem>> -> memref<64xi32, #tpu.memory_space<vmem>>
    %dma_start3A_9 = arith.constant 0 : i32
    %dma_start3A_10 = arith.constant 0 : i32
    %dma_start3A_11 = tpu.memref_slice %arg2[%dma_start3A_9, %dma_start3A_10] : memref<320000x128xf32, #tpu.memory_space<hbm>> -> memref<320000x128xf32, #tpu.memory_space<hbm>>
    tpu.enqueue_indirect_dma source(%dma_start3A_11 : memref<320000x128xf32, #tpu.memory_space<hbm>>) target(%dma_start3A_5 : memref<64x128xf32, #tpu.memory_space<vmem>>) offsets(%dma_start3A_8 : memref<64xi32, #tpu.memory_space<vmem>>) semaphore(%arg7 : memref<!tpu.dma_semaphore, #tpu.memory_space<semaphore_mem>>)
    %dma_start3A_12 = arith.constant 0 : i32
    %dma_start3A_13 = arith.constant 64 : i32
    %dma_start3A_14 = arith.constant 0 : i32
    %dma_start3A_15 = tpu.memref_slice %arg6[%dma_start3A_13, %dma_start3A_14] : memref<320x128xf32, #tpu.memory_space<vmem>> -> memref<64x128xf32, #tpu.memory_space<vmem>>
    %dma_start3A_16 = arith.constant 64 : i32
    %dma_start3A_17 = tpu.memref_slice %arg5[%dma_start3A_12, %dma_start3A_16] : memref<32x320xi32, #tpu.memory_space<vmem>> -> memref<1x64xi32, #tpu.memory_space<vmem>>
    %dma_start3A_18 = tpu.memref_squeeze %dma_start3A_17 : memref<1x64xi32, #tpu.memory_space<vmem>> -> memref<64xi32, #tpu.memory_space<vmem>>
    %dma_start3A_19 = arith.constant 0 : i32
    %dma_start3A_20 = arith.constant 0 : i32
    %dma_start3A_21 = tpu.memref_slice %arg2[%dma_start3A_19, %dma_start3A_20] : memref<320000x128xf32, #tpu.memory_space<hbm>> -> memref<320000x128xf32, #tpu.memory_space<hbm>>
    tpu.enqueue_indirect_dma source(%dma_start3A_21 : memref<320000x128xf32, #tpu.memory_space<hbm>>) target(%dma_start3A_15 : memref<64x128xf32, #tpu.memory_space<vmem>>) offsets(%dma_start3A_18 : memref<64xi32, #tpu.memory_space<vmem>>) semaphore(%arg7 : memref<!tpu.dma_semaphore, #tpu.memory_space<semaphore_mem>>)
    %dma_start3A_22 = arith.constant 0 : i32
    %dma_start3A_23 = arith.constant 128 : i32
    %dma_start3A_24 = arith.constant 0 : i32
    %dma_start3A_25 = tpu.memref_slice %arg6[%dma_start3A_23, %dma_start3A_24] : memref<320x128xf32, #tpu.memory_space<vmem>> -> memref<64x128xf32, #tpu.memory_space<vmem>>
    %dma_start3A_26 = arith.constant 128 : i32
    %dma_start3A_27 = tpu.memref_slice %arg5[%dma_start3A_22, %dma_start3A_26] : memref<32x320xi32, #tpu.memory_space<vmem>> -> memref<1x64xi32, #tpu.memory_space<vmem>>
    %dma_start3A_28 = tpu.memref_squeeze %dma_start3A_27 : memref<1x64xi32, #tpu.memory_space<vmem>> -> memref<64xi32, #tpu.memory_space<vmem>>
    %dma_start3A_29 = arith.constant 0 : i32
    %dma_start3A_30 = arith.constant 0 : i32
    %dma_start3A_31 = tpu.memref_slice %arg2[%dma_start3A_29, %dma_start3A_30] : memref<320000x128xf32, #tpu.memory_space<hbm>> -> memref<320000x128xf32, #tpu.memory_space<hbm>>
    tpu.enqueue_indirect_dma source(%dma_start3A_31 : memref<320000x128xf32, #tpu.memory_space<hbm>>) target(%dma_start3A_25 : memref<64x128xf32, #tpu.memory_space<vmem>>) offsets(%dma_start3A_28 : memref<64xi32, #tpu.memory_space<vmem>>) semaphore(%arg7 : memref<!tpu.dma_semaphore, #tpu.memory_space<semaphore_mem>>)
    %dma_start3A_32 = arith.constant 0 : i32
    %dma_start3A_33 = arith.constant 192 : i32
    %dma_start3A_34 = arith.constant 0 : i32
    %dma_start3A_35 = tpu.memref_slice %arg6[%dma_start3A_33, %dma_start3A_34] : memref<320x128xf32, #tpu.memory_space<vmem>> -> memref<64x128xf32, #tpu.memory_space<vmem>>
    %dma_start3A_36 = arith.constant 192 : i32
    %dma_start3A_37 = tpu.memref_slice %arg5[%dma_start3A_32, %dma_start3A_36] : memref<32x320xi32, #tpu.memory_space<vmem>> -> memref<1x64xi32, #tpu.memory_space<vmem>>
    %dma_start3A_38 = tpu.memref_squeeze %dma_start3A_37 : memref<1x64xi32, #tpu.memory_space<vmem>> -> memref<64xi32, #tpu.memory_space<vmem>>
    %dma_start3A_39 = arith.constant 0 : i32
    %dma_start3A_40 = arith.constant 0 : i32
    %dma_start3A_41 = tpu.memref_slice %arg2[%dma_start3A_39, %dma_start3A_40] : memref<320000x128xf32, #tpu.memory_space<hbm>> -> memref<320000x128xf32, #tpu.memory_space<hbm>>
    tpu.enqueue_indirect_dma source(%dma_start3A_41 : memref<320000x128xf32, #tpu.memory_space<hbm>>) target(%dma_start3A_35 : memref<64x128xf32, #tpu.memory_space<vmem>>) offsets(%dma_start3A_38 : memref<64xi32, #tpu.memory_space<vmem>>) semaphore(%arg7 : memref<!tpu.dma_semaphore, #tpu.memory_space<semaphore_mem>>)
    %dma_start3A_42 = arith.constant 0 : i32
    %dma_start3A_43 = arith.constant 256 : i32
    %dma_start3A_44 = arith.constant 0 : i32
    %dma_start3A_45 = tpu.memref_slice %arg6[%dma_start3A_43, %dma_start3A_44] : memref<320x128xf32, #tpu.memory_space<vmem>> -> memref<64x128xf32, #tpu.memory_space<vmem>>
    %dma_start3A_46 = arith.constant 256 : i32
    %dma_start3A_47 = tpu.memref_slice %arg5[%dma_start3A_42, %dma_start3A_46] : memref<32x320xi32, #tpu.memory_space<vmem>> -> memref<1x64xi32, #tpu.memory_space<vmem>>
    %dma_start3A_48 = tpu.memref_squeeze %dma_start3A_47 : memref<1x64xi32, #tpu.memory_space<vmem>> -> memref<64xi32, #tpu.memory_space<vmem>>
    %dma_start3A_49 = arith.constant 0 : i32
    %dma_start3A_50 = arith.constant 0 : i32
    %dma_start3A_51 = tpu.memref_slice %arg2[%dma_start3A_49, %dma_start3A_50] : memref<320000x128xf32, #tpu.memory_space<hbm>> -> memref<320000x128xf32, #tpu.memory_space<hbm>>
    tpu.enqueue_indirect_dma source(%dma_start3A_51 : memref<320000x128xf32, #tpu.memory_space<hbm>>) target(%dma_start3A_45 : memref<64x128xf32, #tpu.memory_space<vmem>>) offsets(%dma_start3A_48 : memref<64xi32, #tpu.memory_space<vmem>>) semaphore(%arg7 : memref<!tpu.dma_semaphore, #tpu.memory_space<semaphore_mem>>)
    %dma_wait3A = arith.constant 0 : i32
    %dma_wait3A_52 = arith.constant 0 : i32
    %dma_wait3A_53 = tpu.memref_slice %arg6[%dma_wait3A, %dma_wait3A_52] : memref<320x128xf32, #tpu.memory_space<vmem>> -> memref<64x128xf32, #tpu.memory_space<vmem>>
    %dma_wait3A_54 = arith.constant 0 : i32
    %dma_wait3A_55 = arith.constant 0 : i32
    %dma_wait3A_56 = tpu.memref_slice %arg2[%dma_wait3A_54, %dma_wait3A_55] : memref<320000x128xf32, #tpu.memory_space<hbm>> -> memref<64x128xf32, #tpu.memory_space<hbm>>
    %dma_wait3A_57 = arith.constant 0 : i32
    %dma_wait3A_58 = arith.constant 0 : i32
    %dma_wait3A_59 = tpu.memref_slice %arg6[%dma_wait3A_57, %dma_wait3A_58] : memref<320x128xf32, #tpu.memory_space<vmem>> -> memref<64x128xf32, #tpu.memory_space<vmem>>
    %dma_wait3A_60 = arith.constant 0 : i32
    %dma_wait3A_61 = arith.constant 0 : i32
    %dma_wait3A_62 = tpu.memref_slice %arg2[%dma_wait3A_60, %dma_wait3A_61] : memref<320000x128xf32, #tpu.memory_space<hbm>> -> memref<64x128xf32, #tpu.memory_space<hbm>>
    tpu.wait_dma2 semaphore(%arg7 : memref<!tpu.dma_semaphore, #tpu.memory_space<semaphore_mem>>) src(%dma_wait3A_62 : memref<64x128xf32, #tpu.memory_space<hbm>>) dst(%dma_wait3A_59 : memref<64x128xf32, #tpu.memory_space<vmem>>)
    %dma_wait3A_63 = arith.constant 0 : i32
    %dma_wait3A_64 = arith.constant 0 : i32
    %dma_wait3A_65 = tpu.memref_slice %arg6[%dma_wait3A_63, %dma_wait3A_64] : memref<320x128xf32, #tpu.memory_space<vmem>> -> memref<64x128xf32, #tpu.memory_space<vmem>>
    %dma_wait3A_66 = arith.constant 0 : i32
    %dma_wait3A_67 = arith.constant 0 : i32
    %dma_wait3A_68 = tpu.memref_slice %arg2[%dma_wait3A_66, %dma_wait3A_67] : memref<320000x128xf32, #tpu.memory_space<hbm>> -> memref<64x128xf32, #tpu.memory_space<hbm>>
    %dma_wait3A_69 = arith.constant 0 : i32
    %dma_wait3A_70 = arith.constant 0 : i32
    %dma_wait3A_71 = tpu.memref_slice %arg6[%dma_wait3A_69, %dma_wait3A_70] : memref<320x128xf32, #tpu.memory_space<vmem>> -> memref<64x128xf32, #tpu.memory_space<vmem>>
    %dma_wait3A_72 = arith.constant 0 : i32
    %dma_wait3A_73 = arith.constant 0 : i32
    %dma_wait3A_74 = tpu.memref_slice %arg2[%dma_wait3A_72, %dma_wait3A_73] : memref<320000x128xf32, #tpu.memory_space<hbm>> -> memref<64x128xf32, #tpu.memory_space<hbm>>
    tpu.wait_dma2 semaphore(%arg7 : memref<!tpu.dma_semaphore, #tpu.memory_space<semaphore_mem>>) src(%dma_wait3A_74 : memref<64x128xf32, #tpu.memory_space<hbm>>) dst(%dma_wait3A_71 : memref<64x128xf32, #tpu.memory_space<vmem>>)
    %dma_wait3A_75 = arith.constant 0 : i32
    %dma_wait3A_76 = arith.constant 0 : i32
    %dma_wait3A_77 = tpu.memref_slice %arg6[%dma_wait3A_75, %dma_wait3A_76] : memref<320x128xf32, #tpu.memory_space<vmem>> -> memref<64x128xf32, #tpu.memory_space<vmem>>
    %dma_wait3A_78 = arith.constant 0 : i32
    %dma_wait3A_79 = arith.constant 0 : i32
    %dma_wait3A_80 = tpu.memref_slice %arg2[%dma_wait3A_78, %dma_wait3A_79] : memref<320000x128xf32, #tpu.memory_space<hbm>> -> memref<64x128xf32, #tpu.memory_space<hbm>>
    %dma_wait3A_81 = arith.constant 0 : i32
    %dma_wait3A_82 = arith.constant 0 : i32
    %dma_wait3A_83 = tpu.memref_slice %arg6[%dma_wait3A_81, %dma_wait3A_82] : memref<320x128xf32, #tpu.memory_space<vmem>> -> memref<64x128xf32, #tpu.memory_space<vmem>>
    %dma_wait3A_84 = arith.constant 0 : i32
    %dma_wait3A_85 = arith.constant 0 : i32
    %dma_wait3A_86 = tpu.memref_slice %arg2[%dma_wait3A_84, %dma_wait3A_85] : memref<320000x128xf32, #tpu.memory_space<hbm>> -> memref<64x128xf32, #tpu.memory_space<hbm>>
    tpu.wait_dma2 semaphore(%arg7 : memref<!tpu.dma_semaphore, #tpu.memory_space<semaphore_mem>>) src(%dma_wait3A_86 : memref<64x128xf32, #tpu.memory_space<hbm>>) dst(%dma_wait3A_83 : memref<64x128xf32, #tpu.memory_space<vmem>>)
    %dma_wait3A_87 = arith.constant 0 : i32
    %dma_wait3A_88 = arith.constant 0 : i32
    %dma_wait3A_89 = tpu.memref_slice %arg6[%dma_wait3A_87, %dma_wait3A_88] : memref<320x128xf32, #tpu.memory_space<vmem>> -> memref<64x128xf32, #tpu.memory_space<vmem>>
    %dma_wait3A_90 = arith.constant 0 : i32
    %dma_wait3A_91 = arith.constant 0 : i32
    %dma_wait3A_92 = tpu.memref_slice %arg2[%dma_wait3A_90, %dma_wait3A_91] : memref<320000x128xf32, #tpu.memory_space<hbm>> -> memref<64x128xf32, #tpu.memory_space<hbm>>
    %dma_wait3A_93 = arith.constant 0 : i32
    %dma_wait3A_94 = arith.constant 0 : i32
    %dma_wait3A_95 = tpu.memref_slice %arg6[%dma_wait3A_93, %dma_wait3A_94] : memref<320x128xf32, #tpu.memory_space<vmem>> -> memref<64x128xf32, #tpu.memory_space<vmem>>
    %dma_wait3A_96 = arith.constant 0 : i32
    %dma_wait3A_97 = arith.constant 0 : i32
    %dma_wait3A_98 = tpu.memref_slice %arg2[%dma_wait3A_96, %dma_wait3A_97] : memref<320000x128xf32, #tpu.memory_space<hbm>> -> memref<64x128xf32, #tpu.memory_space<hbm>>
    tpu.wait_dma2 semaphore(%arg7 : memref<!tpu.dma_semaphore, #tpu.memory_space<semaphore_mem>>) src(%dma_wait3A_98 : memref<64x128xf32, #tpu.memory_space<hbm>>) dst(%dma_wait3A_95 : memref<64x128xf32, #tpu.memory_space<vmem>>)
    %dma_wait3A_99 = arith.constant 0 : i32
    %dma_wait3A_100 = arith.constant 0 : i32
    %dma_wait3A_101 = tpu.memref_slice %arg6[%dma_wait3A_99, %dma_wait3A_100] : memref<320x128xf32, #tpu.memory_space<vmem>> -> memref<64x128xf32, #tpu.memory_space<vmem>>
    %dma_wait3A_102 = arith.constant 0 : i32
    %dma_wait3A_103 = arith.constant 0 : i32
    %dma_wait3A_104 = tpu.memref_slice %arg2[%dma_wait3A_102, %dma_wait3A_103] : memref<320000x128xf32, #tpu.memory_space<hbm>> -> memref<64x128xf32, #tpu.memory_space<hbm>>
    %dma_wait3A_105 = arith.constant 0 : i32
    %dma_wait3A_106 = arith.constant 0 : i32
    %dma_wait3A_107 = tpu.memref_slice %arg6[%dma_wait3A_105, %dma_wait3A_106] : memref<320x128xf32, #tpu.memory_space<vmem>> -> memref<64x128xf32, #tpu.memory_space<vmem>>
    %dma_wait3A_108 = arith.constant 0 : i32
    %dma_wait3A_109 = arith.constant 0 : i32
    %dma_wait3A_110 = tpu.memref_slice %arg2[%dma_wait3A_108, %dma_wait3A_109] : memref<320000x128xf32, #tpu.memory_space<hbm>> -> memref<64x128xf32, #tpu.memory_space<hbm>>
    tpu.wait_dma2 semaphore(%arg7 : memref<!tpu.dma_semaphore, #tpu.memory_space<semaphore_mem>>) src(%dma_wait3A_110 : memref<64x128xf32, #tpu.memory_space<hbm>>) dst(%dma_wait3A_107 : memref<64x128xf32, #tpu.memory_space<vmem>>)
    %dma_start3A_111 = arith.constant 1 : i32
    %dma_start3A_112 = arith.constant 0 : i32
    %dma_start3A_113 = arith.constant 0 : i32
    %dma_start3A_114 = tpu.memref_slice %arg6[%dma_start3A_112, %dma_start3A_113] : memref<320x128xf32, #tpu.memory_space<vmem>> -> memref<64x128xf32, #tpu.memory_space<vmem>>
    %dma_start3A_115 = arith.constant 0 : i32
    %dma_start3A_116 = tpu.memref_slice %arg5[%dma_start3A_111, %dma_start3A_115] : memref<32x320xi32, #tpu.memory_space<vmem>> -> memref<1x64xi32, #tpu.memory_space<vmem>>
    %dma_start3A_117 = tpu.memref_squeeze %dma_start3A_116 : memref<1x64xi32, #tpu.memory_space<vmem>> -> memref<64xi32, #tpu.memory_space<vmem>>
    %dma_start3A_118 = arith.constant 0 : i32
    %dma_start3A_119 = arith.constant 0 : i32
    %dma_start3A_120 = tpu.memref_slice %arg2[%dma_start3A_118, %dma_start3A_119] : memref<320000x128xf32, #tpu.memory_space<hbm>> -> memref<320000x128xf32, #tpu.memory_space<hbm>>
    tpu.enqueue_indirect_dma source(%dma_start3A_120 : memref<320000x128xf32, #tpu.memory_space<hbm>>) target(%dma_start3A_114 : memref<64x128xf32, #tpu.memory_space<vmem>>) offsets(%dma_start3A_117 : memref<64xi32, #tpu.memory_space<vmem>>) semaphore(%arg7 : memref<!tpu.dma_semaphore, #tpu.memory_space<semaphore_mem>>) {add = true}
    %dma_start3A_121 = arith.constant 1 : i32
    %dma_start3A_122 = arith.constant 64 : i32
    %dma_start3A_123 = arith.constant 0 : i32
    %dma_start3A_124 = tpu.memref_slice %arg6[%dma_start3A_122, %dma_start3A_123] : memref<320x128xf32, #tpu.memory_space<vmem>> -> memref<64x128xf32, #tpu.memory_space<vmem>>
    %dma_start3A_125 = arith.constant 64 : i32
    %dma_start3A_126 = tpu.memref_slice %arg5[%dma_start3A_121, %dma_start3A_125] : memref<32x320xi32, #tpu.memory_space<vmem>> -> memref<1x64xi32, #tpu.memory_space<vmem>>
    %dma_start3A_127 = tpu.memref_squeeze %dma_start3A_126 : memref<1x64xi32, #tpu.memory_space<vmem>> -> memref<64xi32, #tpu.memory_space<vmem>>
    %dma_start3A_128 = arith.constant 0 : i32
    %dma_start3A_129 = arith.constant 0 : i32
    %dma_start3A_130 = tpu.memref_slice %arg2[%dma_start3A_128, %dma_start3A_129] : memref<320000x128xf32, #tpu.memory_space<hbm>> -> memref<320000x128xf32, #tpu.memory_space<hbm>>
    tpu.enqueue_indirect_dma source(%dma_start3A_130 : memref<320000x128xf32, #tpu.memory_space<hbm>>) target(%dma_start3A_124 : memref<64x128xf32, #tpu.memory_space<vmem>>) offsets(%dma_start3A_127 : memref<64xi32, #tpu.memory_space<vmem>>) semaphore(%arg7 : memref<!tpu.dma_semaphore, #tpu.memory_space<semaphore_mem>>) {add = true}
    %dma_start3A_131 = arith.constant 1 : i32
    %dma_start3A_132 = arith.constant 128 : i32
    %dma_start3A_133 = arith.constant 0 : i32
    %dma_start3A_134 = tpu.memref_slice %arg6[%dma_start3A_132, %dma_start3A_133] : memref<320x128xf32, #tpu.memory_space<vmem>> -> memref<64x128xf32, #tpu.memory_space<vmem>>
    %dma_start3A_135 = arith.constant 128 : i32
    %dma_start3A_136 = tpu.memref_slice %arg5[%dma_start3A_131, %dma_start3A_135] : memref<32x320xi32, #tpu.memory_space<vmem>> -> memref<1x64xi32, #tpu.memory_space<vmem>>
    %dma_start3A_137 = tpu.memref_squeeze %dma_start3A_136 : memref<1x64xi32, #tpu.memory_space<vmem>> -> memref<64xi32, #tpu.memory_space<vmem>>
    %dma_start3A_138 = arith.constant 0 : i32
    %dma_start3A_139 = arith.constant 0 : i32
    %dma_start3A_140 = tpu.memref_slice %arg2[%dma_start3A_138, %dma_start3A_139] : memref<320000x128xf32, #tpu.memory_space<hbm>> -> memref<320000x128xf32, #tpu.memory_space<hbm>>
    tpu.enqueue_indirect_dma source(%dma_start3A_140 : memref<320000x128xf32, #tpu.memory_space<hbm>>) target(%dma_start3A_134 : memref<64x128xf32, #tpu.memory_space<vmem>>) offsets(%dma_start3A_137 : memref<64xi32, #tpu.memory_space<vmem>>) semaphore(%arg7 : memref<!tpu.dma_semaphore, #tpu.memory_space<semaphore_mem>>) {add = true}
    %dma_start3A_141 = arith.constant 1 : i32
    %dma_start3A_142 = arith.constant 192 : i32
    %dma_start3A_143 = arith.constant 0 : i32
    %dma_start3A_144 = tpu.memref_slice %arg6[%dma_start3A_142, %dma_start3A_143] : memref<320x128xf32, #tpu.memory_space<vmem>> -> memref<64x128xf32, #tpu.memory_space<vmem>>
    %dma_start3A_145 = arith.constant 192 : i32
    %dma_start3A_146 = tpu.memref_slice %arg5[%dma_start3A_141, %dma_start3A_145] : memref<32x320xi32, #tpu.memory_space<vmem>> -> memref<1x64xi32, #tpu.memory_space<vmem>>
    %dma_start3A_147 = tpu.memref_squeeze %dma_start3A_146 : memref<1x64xi32, #tpu.memory_space<vmem>> -> memref<64xi32, #tpu.memory_space<vmem>>
    %dma_start3A_148 = arith.constant 0 : i32
    %dma_start3A_149 = arith.constant 0 : i32
    %dma_start3A_150 = tpu.memref_slice %arg2[%dma_start3A_148, %dma_start3A_149] : memref<320000x128xf32, #tpu.memory_space<hbm>> -> memref<320000x128xf32, #tpu.memory_space<hbm>>
    tpu.enqueue_indirect_dma source(%dma_start3A_150 : memref<320000x128xf32, #tpu.memory_space<hbm>>) target(%dma_start3A_144 : memref<64x128xf32, #tpu.memory_space<vmem>>) offsets(%dma_start3A_147 : memref<64xi32, #tpu.memory_space<vmem>>) semaphore(%arg7 : memref<!tpu.dma_semaphore, #tpu.memory_space<semaphore_mem>>) {add = true}
    %dma_start3A_151 = arith.constant 1 : i32
    %dma_start3A_152 = arith.constant 256 : i32
    %dma_start3A_153 = arith.constant 0 : i32
    %dma_start3A_154 = tpu.memref_slice %arg6[%dma_start3A_152, %dma_start3A_153] : memref<320x128xf32, #tpu.memory_space<vmem>> -> memref<64x128xf32, #tpu.memory_space<vmem>>
    %dma_start3A_155 = arith.constant 256 : i32
    %dma_start3A_156 = tpu.memref_slice %arg5[%dma_start3A_151, %dma_start3A_155] : memref<32x320xi32, #tpu.memory_space<vmem>> -> memref<1x64xi32, #tpu.memory_space<vmem>>
    %dma_start3A_157 = tpu.memref_squeeze %dma_start3A_156 : memref<1x64xi32, #tpu.memory_space<vmem>> -> memref<64xi32, #tpu.memory_space<vmem>>
    %dma_start3A_158 = arith.constant 0 : i32
    %dma_start3A_159 = arith.constant 0 : i32
    %dma_start3A_160 = tpu.memref_slice %arg2[%dma_start3A_158, %dma_start3A_159] : memref<320000x128xf32, #tpu.memory_space<hbm>> -> memref<320000x128xf32, #tpu.memory_space<hbm>>
    tpu.enqueue_indirect_dma source(%dma_start3A_160 : memref<320000x128xf32, #tpu.memory_space<hbm>>) target(%dma_start3A_154 : memref<64x128xf32, #tpu.memory_space<vmem>>) offsets(%dma_start3A_157 : memref<64xi32, #tpu.memory_space<vmem>>) semaphore(%arg7 : memref<!tpu.dma_semaphore, #tpu.memory_space<semaphore_mem>>) {add = true}
    %dma_start3A_161 = arith.constant 2 : i32
    %dma_start3A_162 = arith.constant 0 : i32
    %dma_start3A_163 = arith.constant 0 : i32
    %dma_start3A_164 = tpu.memref_slice %arg6[%dma_start3A_162, %dma_start3A_163] : memref<320x128xf32, #tpu.memory_space<vmem>> -> memref<64x128xf32, #tpu.memory_space<vmem>>
    %dma_start3A_165 = arith.constant 0 : i32
    %dma_start3A_166 = tpu.memref_slice %arg5[%dma_start3A_161, %dma_start3A_165] : memref<32x320xi32, #tpu.memory_space<vmem>> -> memref<1x64xi32, #tpu.memory_space<vmem>>
    %dma_start3A_167 = tpu.memref_squeeze %dma_start3A_166 : memref<1x64xi32, #tpu.memory_space<vmem>> -> memref<64xi32, #tpu.memory_space<vmem>>
    %dma_start3A_168 = arith.constant 0 : i32
    %dma_start3A_169 = arith.constant 0 : i32
    %dma_start3A_170 = tpu.memref_slice %arg2[%dma_start3A_168, %dma_start3A_169] : memref<320000x128xf32, #tpu.memory_space<hbm>> -> memref<320000x128xf32, #tpu.memory_space<hbm>>
    tpu.enqueue_indirect_dma source(%dma_start3A_170 : memref<320000x128xf32, #tpu.memory_space<hbm>>) target(%dma_start3A_164 : memref<64x128xf32, #tpu.memory_space<vmem>>) offsets(%dma_start3A_167 : memref<64xi32, #tpu.memory_space<vmem>>) semaphore(%arg7 : memref<!tpu.dma_semaphore, #tpu.memory_space<semaphore_mem>>) {add = true}
    %dma_start3A_171 = arith.constant 2 : i32
    %dma_start3A_172 = arith.constant 64 : i32
    %dma_start3A_173 = arith.constant 0 : i32
    %dma_start3A_174 = tpu.memref_slice %arg6[%dma_start3A_172, %dma_start3A_173] : memref<320x128xf32, #tpu.memory_space<vmem>> -> memref<64x128xf32, #tpu.memory_space<vmem>>
    %dma_start3A_175 = arith.constant 64 : i32
    %dma_start3A_176 = tpu.memref_slice %arg5[%dma_start3A_171, %dma_start3A_175] : memref<32x320xi32, #tpu.memory_space<vmem>> -> memref<1x64xi32, #tpu.memory_space<vmem>>
    %dma_start3A_177 = tpu.memref_squeeze %dma_start3A_176 : memref<1x64xi32, #tpu.memory_space<vmem>> -> memref<64xi32, #tpu.memory_space<vmem>>
    %dma_start3A_178 = arith.constant 0 : i32
    %dma_start3A_179 = arith.constant 0 : i32
    %dma_start3A_180 = tpu.memref_slice %arg2[%dma_start3A_178, %dma_start3A_179] : memref<320000x128xf32, #tpu.memory_space<hbm>> -> memref<320000x128xf32, #tpu.memory_space<hbm>>
    tpu.enqueue_indirect_dma source(%dma_start3A_180 : memref<320000x128xf32, #tpu.memory_space<hbm>>) target(%dma_start3A_174 : memref<64x128xf32, #tpu.memory_space<vmem>>) offsets(%dma_start3A_177 : memref<64xi32, #tpu.memory_space<vmem>>) semaphore(%arg7 : memref<!tpu.dma_semaphore, #tpu.memory_space<semaphore_mem>>) {add = true}
    %dma_start3A_181 = arith.constant 2 : i32
    %dma_start3A_182 = arith.constant 128 : i32
    %dma_start3A_183 = arith.constant 0 : i32
    %dma_start3A_184 = tpu.memref_slice %arg6[%dma_start3A_182, %dma_start3A_183] : memref<320x128xf32, #tpu.memory_space<vmem>> -> memref<64x128xf32, #tpu.memory_space<vmem>>
    %dma_start3A_185 = arith.constant 128 : i32
    %dma_start3A_186 = tpu.memref_slice %arg5[%dma_start3A_181, %dma_start3A_185] : memref<32x320xi32, #tpu.memory_space<vmem>> -> memref<1x64xi32, #tpu.memory_space<vmem>>
    %dma_start3A_187 = tpu.memref_squeeze %dma_start3A_186 : memref<1x64xi32, #tpu.memory_space<vmem>> -> memref<64xi32, #tpu.memory_space<vmem>>
    %dma_start3A_188 = arith.constant 0 : i32
    %dma_start3A_189 = arith.constant 0 : i32
    %dma_start3A_190 = tpu.memref_slice %arg2[%dma_start3A_188, %dma_start3A_189] : memref<320000x128xf32, #tpu.memory_space<hbm>> -> memref<320000x128xf32, #tpu.memory_space<hbm>>
    tpu.enqueue_indirect_dma source(%dma_start3A_190 : memref<320000x128xf32, #tpu.memory_space<hbm>>) target(%dma_start3A_184 : memref<64x128xf32, #tpu.memory_space<vmem>>) offsets(%dma_start3A_187 : memref<64xi32, #tpu.memory_space<vmem>>) semaphore(%arg7 : memref<!tpu.dma_semaphore, #tpu.memory_space<semaphore_mem>>) {add = true}
    %dma_start3A_191 = arith.constant 2 : i32
    %dma_start3A_192 = arith.constant 192 : i32
    %dma_start3A_193 = arith.constant 0 : i32
    %dma_start3A_194 = tpu.memref_slice %arg6[%dma_start3A_192, %dma_start3A_193] : memref<320x128xf32, #tpu.memory_space<vmem>> -> memref<64x128xf32, #tpu.memory_space<vmem>>
    %dma_start3A_195 = arith.constant 192 : i32
    %dma_start3A_196 = tpu.memref_slice %arg5[%dma_start3A_191, %dma_start3A_195] : memref<32x320xi32, #tpu.memory_space<vmem>> -> memref<1x64xi32, #tpu.memory_space<vmem>>
    %dma_start3A_197 = tpu.memref_squeeze %dma_start3A_196 : memref<1x64xi32, #tpu.memory_space<vmem>> -> memref<64xi32, #tpu.memory_space<vmem>>
    %dma_start3A_198 = arith.constant 0 : i32
    %dma_start3A_199 = arith.constant 0 : i32
    %dma_start3A_200 = tpu.memref_slice %arg2[%dma_start3A_198, %dma_start3A_199] : memref<320000x128xf32, #tpu.memory_space<hbm>> -> memref<320000x128xf32, #tpu.memory_space<hbm>>
    tpu.enqueue_indirect_dma source(%dma_start3A_200 : memref<320000x128xf32, #tpu.memory_space<hbm>>) target(%dma_start3A_194 : memref<64x128xf32, #tpu.memory_space<vmem>>) offsets(%dma_start3A_197 : memref<64xi32, #tpu.memory_space<vmem>>) semaphore(%arg7 : memref<!tpu.dma_semaphore, #tpu.memory_space<semaphore_mem>>) {add = true}
    %dma_start3A_201 = arith.constant 2 : i32
    %dma_start3A_202 = arith.constant 256 : i32
    %dma_start3A_203 = arith.constant 0 : i32
    %dma_start3A_204 = tpu.memref_slice %arg6[%dma_start3A_202, %dma_start3A_203] : memref<320x128xf32, #tpu.memory_space<vmem>> -> memref<64x128xf32, #tpu.memory_space<vmem>>
    %dma_start3A_205 = arith.constant 256 : i32
    %dma_start3A_206 = tpu.memref_slice %arg5[%dma_start3A_201, %dma_start3A_205] : memref<32x320xi32, #tpu.memory_space<vmem>> -> memref<1x64xi32, #tpu.memory_space<vmem>>
    %dma_start3A_207 = tpu.memref_squeeze %dma_start3A_206 : memref<1x64xi32, #tpu.memory_space<vmem>> -> memref<64xi32, #tpu.memory_space<vmem>>
    %dma_start3A_208 = arith.constant 0 : i32
    %dma_start3A_209 = arith.constant 0 : i32
    %dma_start3A_210 = tpu.memref_slice %arg2[%dma_start3A_208, %dma_start3A_209] : memref<320000x128xf32, #tpu.memory_space<hbm>> -> memref<320000x128xf32, #tpu.memory_space<hbm>>
    tpu.enqueue_indirect_dma source(%dma_start3A_210 : memref<320000x128xf32, #tpu.memory_space<hbm>>) target(%dma_start3A_204 : memref<64x128xf32, #tpu.memory_space<vmem>>) offsets(%dma_start3A_207 : memref<64xi32, #tpu.memory_space<vmem>>) semaphore(%arg7 : memref<!tpu.dma_semaphore, #tpu.memory_space<semaphore_mem>>) {add = true}
    %dma_start3A_211 = arith.constant 3 : i32
    %dma_start3A_212 = arith.constant 0 : i32
    %dma_start3A_213 = arith.constant 0 : i32
    %dma_start3A_214 = tpu.memref_slice %arg6[%dma_start3A_212, %dma_start3A_213] : memref<320x128xf32, #tpu.memory_space<vmem>> -> memref<64x128xf32, #tpu.memory_space<vmem>>
    %dma_start3A_215 = arith.constant 0 : i32
    %dma_start3A_216 = tpu.memref_slice %arg5[%dma_start3A_211, %dma_start3A_215] : memref<32x320xi32, #tpu.memory_space<vmem>> -> memref<1x64xi32, #tpu.memory_space<vmem>>
    %dma_start3A_217 = tpu.memref_squeeze %dma_start3A_216 : memref<1x64xi32, #tpu.memory_space<vmem>> -> memref<64xi32, #tpu.memory_space<vmem>>
    %dma_start3A_218 = arith.constant 0 : i32
    %dma_start3A_219 = arith.constant 0 : i32
    %dma_start3A_220 = tpu.memref_slice %arg2[%dma_start3A_218, %dma_start3A_219] : memref<320000x128xf32, #tpu.memory_space<hbm>> -> memref<320000x128xf32, #tpu.memory_space<hbm>>
    tpu.enqueue_indirect_dma source(%dma_start3A_220 : memref<320000x128xf32, #tpu.memory_space<hbm>>) target(%dma_start3A_214 : memref<64x128xf32, #tpu.memory_space<vmem>>) offsets(%dma_start3A_217 : memref<64xi32, #tpu.memory_space<vmem>>) semaphore(%arg7 : memref<!tpu.dma_semaphore, #tpu.memory_space<semaphore_mem>>) {add = true}
    %dma_start3A_221 = arith.constant 3 : i32
    %dma_start3A_222 = arith.constant 64 : i32
    %dma_start3A_223 = arith.constant 0 : i32
    %dma_start3A_224 = tpu.memref_slice %arg6[%dma_start3A_222, %dma_start3A_223] : memref<320x128xf32, #tpu.memory_space<vmem>> -> memref<64x128xf32, #tpu.memory_space<vmem>>
    %dma_start3A_225 = arith.constant 64 : i32
    %dma_start3A_226 = tpu.memref_slice %arg5[%dma_start3A_221, %dma_start3A_225] : memref<32x320xi32, #tpu.memory_space<vmem>> -> memref<1x64xi32, #tpu.memory_space<vmem>>
    %dma_start3A_227 = tpu.memref_squeeze %dma_start3A_226 : memref<1x64xi32, #tpu.memory_space<vmem>> -> memref<64xi32, #tpu.memory_space<vmem>>
    %dma_start3A_228 = arith.constant 0 : i32
    %dma_start3A_229 = arith.constant 0 : i32
    %dma_start3A_230 = tpu.memref_slice %arg2[%dma_start3A_228, %dma_start3A_229] : memref<320000x128xf32, #tpu.memory_space<hbm>> -> memref<320000x128xf32, #tpu.memory_space<hbm>>
    tpu.enqueue_indirect_dma source(%dma_start3A_230 : memref<320000x128xf32, #tpu.memory_space<hbm>>) target(%dma_start3A_224 : memref<64x128xf32, #tpu.memory_space<vmem>>) offsets(%dma_start3A_227 : memref<64xi32, #tpu.memory_space<vmem>>) semaphore(%arg7 : memref<!tpu.dma_semaphore, #tpu.memory_space<semaphore_mem>>) {add = true}
    %dma_start3A_231 = arith.constant 3 : i32
    %dma_start3A_232 = arith.constant 128 : i32
    %dma_start3A_233 = arith.constant 0 : i32
    %dma_start3A_234 = tpu.memref_slice %arg6[%dma_start3A_232, %dma_start3A_233] : memref<320x128xf32, #tpu.memory_space<vmem>> -> memref<64x128xf32, #tpu.memory_space<vmem>>
    %dma_start3A_235 = arith.constant 128 : i32
    %dma_start3A_236 = tpu.memref_slice %arg5[%dma_start3A_231, %dma_start3A_235] : memref<32x320xi32, #tpu.memory_space<vmem>> -> memref<1x64xi32, #tpu.memory_space<vmem>>
    %dma_start3A_237 = tpu.memref_squeeze %dma_start3A_236 : memref<1x64xi32, #tpu.memory_space<vmem>> -> memref<64xi32, #tpu.memory_space<vmem>>
    %dma_start3A_238 = arith.constant 0 : i32
    %dma_start3A_239 = arith.constant 0 : i32
    %dma_start3A_240 = tpu.memref_slice %arg2[%dma_start3A_238, %dma_start3A_239] : memref<320000x128xf32, #tpu.memory_space<hbm>> -> memref<320000x128xf32, #tpu.memory_space<hbm>>
    tpu.enqueue_indirect_dma source(%dma_start3A_240 : memref<320000x128xf32, #tpu.memory_space<hbm>>) target(%dma_start3A_234 : memref<64x128xf32, #tpu.memory_space<vmem>>) offsets(%dma_start3A_237 : memref<64xi32, #tpu.memory_space<vmem>>) semaphore(%arg7 : memref<!tpu.dma_semaphore, #tpu.memory_space<semaphore_mem>>) {add = true}
    %dma_start3A_241 = arith.constant 3 : i32
    %dma_start3A_242 = arith.constant 192 : i32
    %dma_start3A_243 = arith.constant 0 : i32
    %dma_start3A_244 = tpu.memref_slice %arg6[%dma_start3A_242, %dma_start3A_243] : memref<320x128xf32, #tpu.memory_space<vmem>> -> memref<64x128xf32, #tpu.memory_space<vmem>>
    %dma_start3A_245 = arith.constant 192 : i32
    %dma_start3A_246 = tpu.memref_slice %arg5[%dma_start3A_241, %dma_start3A_245] : memref<32x320xi32, #tpu.memory_space<vmem>> -> memref<1x64xi32, #tpu.memory_space<vmem>>
    %dma_start3A_247 = tpu.memref_squeeze %dma_start3A_246 : memref<1x64xi32, #tpu.memory_space<vmem>> -> memref<64xi32, #tpu.memory_space<vmem>>
    %dma_start3A_248 = arith.constant 0 : i32
    %dma_start3A_249 = arith.constant 0 : i32
    %dma_start3A_250 = tpu.memref_slice %arg2[%dma_start3A_248, %dma_start3A_249] : memref<320000x128xf32, #tpu.memory_space<hbm>> -> memref<320000x128xf32, #tpu.memory_space<hbm>>
    tpu.enqueue_indirect_dma source(%dma_start3A_250 : memref<320000x128xf32, #tpu.memory_space<hbm>>) target(%dma_start3A_244 : memref<64x128xf32, #tpu.memory_space<vmem>>) offsets(%dma_start3A_247 : memref<64xi32, #tpu.memory_space<vmem>>) semaphore(%arg7 : memref<!tpu.dma_semaphore, #tpu.memory_space<semaphore_mem>>) {add = true}
    %dma_start3A_251 = arith.constant 3 : i32
    %dma_start3A_252 = arith.constant 256 : i32
    %dma_start3A_253 = arith.constant 0 : i32
    %dma_start3A_254 = tpu.memref_slice %arg6[%dma_start3A_252, %dma_start3A_253] : memref<320x128xf32, #tpu.memory_space<vmem>> -> memref<64x128xf32, #tpu.memory_space<vmem>>
    %dma_start3A_255 = arith.constant 256 : i32
    %dma_start3A_256 = tpu.memref_slice %arg5[%dma_start3A_251, %dma_start3A_255] : memref<32x320xi32, #tpu.memory_space<vmem>> -> memref<1x64xi32, #tpu.memory_space<vmem>>
    %dma_start3A_257 = tpu.memref_squeeze %dma_start3A_256 : memref<1x64xi32, #tpu.memory_space<vmem>> -> memref<64xi32, #tpu.memory_space<vmem>>
    %dma_start3A_258 = arith.constant 0 : i32
    %dma_start3A_259 = arith.constant 0 : i32
    %dma_start3A_260 = tpu.memref_slice %arg2[%dma_start3A_258, %dma_start3A_259] : memref<320000x128xf32, #tpu.memory_space<hbm>> -> memref<320000x128xf32, #tpu.memory_space<hbm>>
    tpu.enqueue_indirect_dma source(%dma_start3A_260 : memref<320000x128xf32, #tpu.memory_space<hbm>>) target(%dma_start3A_254 : memref<64x128xf32, #tpu.memory_space<vmem>>) offsets(%dma_start3A_257 : memref<64xi32, #tpu.memory_space<vmem>>) semaphore(%arg7 : memref<!tpu.dma_semaphore, #tpu.memory_space<semaphore_mem>>) {add = true}
    %dma_start3A_261 = arith.constant 4 : i32
    %dma_start3A_262 = arith.constant 0 : i32
    %dma_start3A_263 = arith.constant 0 : i32
    %dma_start3A_264 = tpu.memref_slice %arg6[%dma_start3A_262, %dma_start3A_263] : memref<320x128xf32, #tpu.memory_space<vmem>> -> memref<64x128xf32, #tpu.memory_space<vmem>>
    %dma_start3A_265 = arith.constant 0 : i32
    %dma_start3A_266 = tpu.memref_slice %arg5[%dma_start3A_261, %dma_start3A_265] : memref<32x320xi32, #tpu.memory_space<vmem>> -> memref<1x64xi32, #tpu.memory_space<vmem>>
    %dma_start3A_267 = tpu.memref_squeeze %dma_start3A_266 : memref<1x64xi32, #tpu.memory_space<vmem>> -> memref<64xi32, #tpu.memory_space<vmem>>
    %dma_start3A_268 = arith.constant 0 : i32
    %dma_start3A_269 = arith.constant 0 : i32
    %dma_start3A_270 = tpu.memref_slice %arg2[%dma_start3A_268, %dma_start3A_269] : memref<320000x128xf32, #tpu.memory_space<hbm>> -> memref<320000x128xf32, #tpu.memory_space<hbm>>
    tpu.enqueue_indirect_dma source(%dma_start3A_270 : memref<320000x128xf32, #tpu.memory_space<hbm>>) target(%dma_start3A_264 : memref<64x128xf32, #tpu.memory_space<vmem>>) offsets(%dma_start3A_267 : memref<64xi32, #tpu.memory_space<vmem>>) semaphore(%arg7 : memref<!tpu.dma_semaphore, #tpu.memory_space<semaphore_mem>>) {add = true}
    %dma_start3A_271 = arith.constant 4 : i32
    %dma_start3A_272 = arith.constant 64 : i32
    %dma_start3A_273 = arith.constant 0 : i32
    %dma_start3A_274 = tpu.memref_slice %arg6[%dma_start3A_272, %dma_start3A_273] : memref<320x128xf32, #tpu.memory_space<vmem>> -> memref<64x128xf32, #tpu.memory_space<vmem>>
    %dma_start3A_275 = arith.constant 64 : i32
    %dma_start3A_276 = tpu.memref_slice %arg5[%dma_start3A_271, %dma_start3A_275] : memref<32x320xi32, #tpu.memory_space<vmem>> -> memref<1x64xi32, #tpu.memory_space<vmem>>
    %dma_start3A_277 = tpu.memref_squeeze %dma_start3A_276 : memref<1x64xi32, #tpu.memory_space<vmem>> -> memref<64xi32, #tpu.memory_space<vmem>>
    %dma_start3A_278 = arith.constant 0 : i32
    %dma_start3A_279 = arith.constant 0 : i32
    %dma_start3A_280 = tpu.memref_slice %arg2[%dma_start3A_278, %dma_start3A_279] : memref<320000x128xf32, #tpu.memory_space<hbm>> -> memref<320000x128xf32, #tpu.memory_space<hbm>>
    tpu.enqueue_indirect_dma source(%dma_start3A_280 : memref<320000x128xf32, #tpu.memory_space<hbm>>) target(%dma_start3A_274 : memref<64x128xf32, #tpu.memory_space<vmem>>) offsets(%dma_start3A_277 : memref<64xi32, #tpu.memory_space<vmem>>) semaphore(%arg7 : memref<!tpu.dma_semaphore, #tpu.memory_space<semaphore_mem>>) {add = true}
    %dma_start3A_281 = arith.constant 4 : i32
    %dma_start3A_282 = arith.constant 128 : i32
    %dma_start3A_283 = arith.constant 0 : i32
    %dma_start3A_284 = tpu.memref_slice %arg6[%dma_start3A_282, %dma_start3A_283] : memref<320x128xf32, #tpu.memory_space<vmem>> -> memref<64x128xf32, #tpu.memory_space<vmem>>
    %dma_start3A_285 = arith.constant 128 : i32
    %dma_start3A_286 = tpu.memref_slice %arg5[%dma_start3A_281, %dma_start3A_285] : memref<32x320xi32, #tpu.memory_space<vmem>> -> memref<1x64xi32, #tpu.memory_space<vmem>>
    %dma_start3A_287 = tpu.memref_squeeze %dma_start3A_286 : memref<1x64xi32, #tpu.memory_space<vmem>> -> memref<64xi32, #tpu.memory_space<vmem>>
    %dma_start3A_288 = arith.constant 0 : i32
    %dma_start3A_289 = arith.constant 0 : i32
    %dma_start3A_290 = tpu.memref_slice %arg2[%dma_start3A_288, %dma_start3A_289] : memref<320000x128xf32, #tpu.memory_space<hbm>> -> memref<320000x128xf32, #tpu.memory_space<hbm>>
    tpu.enqueue_indirect_dma source(%dma_start3A_290 : memref<320000x128xf32, #tpu.memory_space<hbm>>) target(%dma_start3A_284 : memref<64x128xf32, #tpu.memory_space<vmem>>) offsets(%dma_start3A_287 : memref<64xi32, #tpu.memory_space<vmem>>) semaphore(%arg7 : memref<!tpu.dma_semaphore, #tpu.memory_space<semaphore_mem>>) {add = true}
    %dma_start3A_291 = arith.constant 4 : i32
    %dma_start3A_292 = arith.constant 192 : i32
    %dma_start3A_293 = arith.constant 0 : i32
    %dma_start3A_294 = tpu.memref_slice %arg6[%dma_start3A_292, %dma_start3A_293] : memref<320x128xf32, #tpu.memory_space<vmem>> -> memref<64x128xf32, #tpu.memory_space<vmem>>
    %dma_start3A_295 = arith.constant 192 : i32
    %dma_start3A_296 = tpu.memref_slice %arg5[%dma_start3A_291, %dma_start3A_295] : memref<32x320xi32, #tpu.memory_space<vmem>> -> memref<1x64xi32, #tpu.memory_space<vmem>>
    %dma_start3A_297 = tpu.memref_squeeze %dma_start3A_296 : memref<1x64xi32, #tpu.memory_space<vmem>> -> memref<64xi32, #tpu.memory_space<vmem>>
    %dma_start3A_298 = arith.constant 0 : i32
    %dma_start3A_299 = arith.constant 0 : i32
    %dma_start3A_300 = tpu.memref_slice %arg2[%dma_start3A_298, %dma_start3A_299] : memref<320000x128xf32, #tpu.memory_space<hbm>> -> memref<320000x128xf32, #tpu.memory_space<hbm>>
    tpu.enqueue_indirect_dma source(%dma_start3A_300 : memref<320000x128xf32, #tpu.memory_space<hbm>>) target(%dma_start3A_294 : memref<64x128xf32, #tpu.memory_space<vmem>>) offsets(%dma_start3A_297 : memref<64xi32, #tpu.memory_space<vmem>>) semaphore(%arg7 : memref<!tpu.dma_semaphore, #tpu.memory_space<semaphore_mem>>) {add = true}
    %dma_start3A_301 = arith.constant 4 : i32
    %dma_start3A_302 = arith.constant 256 : i32
    %dma_start3A_303 = arith.constant 0 : i32
    %dma_start3A_304 = tpu.memref_slice %arg6[%dma_start3A_302, %dma_start3A_303] : memref<320x128xf32, #tpu.memory_space<vmem>> -> memref<64x128xf32, #tpu.memory_space<vmem>>
    %dma_start3A_305 = arith.constant 256 : i32
    %dma_start3A_306 = tpu.memref_slice %arg5[%dma_start3A_301, %dma_start3A_305] : memref<32x320xi32, #tpu.memory_space<vmem>> -> memref<1x64xi32, #tpu.memory_space<vmem>>
    %dma_start3A_307 = tpu.memref_squeeze %dma_start3A_306 : memref<1x64xi32, #tpu.memory_space<vmem>> -> memref<64xi32, #tpu.memory_space<vmem>>
    %dma_start3A_308 = arith.constant 0 : i32
    %dma_start3A_309 = arith.constant 0 : i32
    %dma_start3A_310 = tpu.memref_slice %arg2[%dma_start3A_308, %dma_start3A_309] : memref<320000x128xf32, #tpu.memory_space<hbm>> -> memref<320000x128xf32, #tpu.memory_space<hbm>>
    tpu.enqueue_indirect_dma source(%dma_start3A_310 : memref<320000x128xf32, #tpu.memory_space<hbm>>) target(%dma_start3A_304 : memref<64x128xf32, #tpu.memory_space<vmem>>) offsets(%dma_start3A_307 : memref<64xi32, #tpu.memory_space<vmem>>) semaphore(%arg7 : memref<!tpu.dma_semaphore, #tpu.memory_space<semaphore_mem>>) {add = true}
    %dma_start3A_311 = arith.constant 5 : i32
    %dma_start3A_312 = arith.constant 0 : i32
    %dma_start3A_313 = arith.constant 0 : i32
    %dma_start3A_314 = tpu.memref_slice %arg6[%dma_start3A_312, %dma_start3A_313] : memref<320x128xf32, #tpu.memory_space<vmem>> -> memref<64x128xf32, #tpu.memory_space<vmem>>
    %dma_start3A_315 = arith.constant 0 : i32
    %dma_start3A_316 = tpu.memref_slice %arg5[%dma_start3A_311, %dma_start3A_315] : memref<32x320xi32, #tpu.memory_space<vmem>> -> memref<1x64xi32, #tpu.memory_space<vmem>>
    %dma_start3A_317 = tpu.memref_squeeze %dma_start3A_316 : memref<1x64xi32, #tpu.memory_space<vmem>> -> memref<64xi32, #tpu.memory_space<vmem>>
    %dma_start3A_318 = arith.constant 0 : i32
    %dma_start3A_319 = arith.constant 0 : i32
    %dma_start3A_320 = tpu.memref_slice %arg2[%dma_start3A_318, %dma_start3A_319] : memref<320000x128xf32, #tpu.memory_space<hbm>> -> memref<320000x128xf32, #tpu.memory_space<hbm>>
    tpu.enqueue_indirect_dma source(%dma_start3A_320 : memref<320000x128xf32, #tpu.memory_space<hbm>>) target(%dma_start3A_314 : memref<64x128xf32, #tpu.memory_space<vmem>>) offsets(%dma_start3A_317 : memref<64xi32, #tpu.memory_space<vmem>>) semaphore(%arg7 : memref<!tpu.dma_semaphore, #tpu.memory_space<semaphore_mem>>) {add = true}
    %dma_start3A_321 = arith.constant 5 : i32
    %dma_start3A_322 = arith.constant 64 : i32
    %dma_start3A_323 = arith.constant 0 : i32
    %dma_start3A_324 = tpu.memref_slice %arg6[%dma_start3A_322, %dma_start3A_323] : memref<320x128xf32, #tpu.memory_space<vmem>> -> memref<64x128xf32, #tpu.memory_space<vmem>>
    %dma_start3A_325 = arith.constant 64 : i32
    %dma_start3A_326 = tpu.memref_slice %arg5[%dma_start3A_321, %dma_start3A_325] : memref<32x320xi32, #tpu.memory_space<vmem>> -> memref<1x64xi32, #tpu.memory_space<vmem>>
    %dma_start3A_327 = tpu.memref_squeeze %dma_start3A_326 : memref<1x64xi32, #tpu.memory_space<vmem>> -> memref<64xi32, #tpu.memory_space<vmem>>
    %dma_start3A_328 = arith.constant 0 : i32
    %dma_start3A_329 = arith.constant 0 : i32
    %dma_start3A_330 = tpu.memref_slice %arg2[%dma_start3A_328, %dma_start3A_329] : memref<320000x128xf32, #tpu.memory_space<hbm>> -> memref<320000x128xf32, #tpu.memory_space<hbm>>
    tpu.enqueue_indirect_dma source(%dma_start3A_330 : memref<320000x128xf32, #tpu.memory_space<hbm>>) target(%dma_start3A_324 : memref<64x128xf32, #tpu.memory_space<vmem>>) offsets(%dma_start3A_327 : memref<64xi32, #tpu.memory_space<vmem>>) semaphore(%arg7 : memref<!tpu.dma_semaphore, #tpu.memory_space<semaphore_mem>>) {add = true}
    %dma_start3A_331 = arith.constant 5 : i32
    %dma_start3A_332 = arith.constant 128 : i32
    %dma_start3A_333 = arith.constant 0 : i32
    %dma_start3A_334 = tpu.memref_slice %arg6[%dma_start3A_332, %dma_start3A_333] : memref<320x128xf32, #tpu.memory_space<vmem>> -> memref<64x128xf32, #tpu.memory_space<vmem>>
    %dma_start3A_335 = arith.constant 128 : i32
    %dma_start3A_336 = tpu.memref_slice %arg5[%dma_start3A_331, %dma_start3A_335] : memref<32x320xi32, #tpu.memory_space<vmem>> -> memref<1x64xi32, #tpu.memory_space<vmem>>
    %dma_start3A_337 = tpu.memref_squeeze %dma_start3A_336 : memref<1x64xi32, #tpu.memory_space<vmem>> -> memref<64xi32, #tpu.memory_space<vmem>>
    %dma_start3A_338 = arith.constant 0 : i32
    %dma_start3A_339 = arith.constant 0 : i32
    %dma_start3A_340 = tpu.memref_slice %arg2[%dma_start3A_338, %dma_start3A_339] : memref<320000x128xf32, #tpu.memory_space<hbm>> -> memref<320000x128xf32, #tpu.memory_space<hbm>>
    tpu.enqueue_indirect_dma source(%dma_start3A_340 : memref<320000x128xf32, #tpu.memory_space<hbm>>) target(%dma_start3A_334 : memref<64x128xf32, #tpu.memory_space<vmem>>) offsets(%dma_start3A_337 : memref<64xi32, #tpu.memory_space<vmem>>) semaphore(%arg7 : memref<!tpu.dma_semaphore, #tpu.memory_space<semaphore_mem>>) {add = true}
    %dma_start3A_341 = arith.constant 5 : i32
    %dma_start3A_342 = arith.constant 192 : i32
    %dma_start3A_343 = arith.constant 0 : i32
    %dma_start3A_344 = tpu.memref_slice %arg6[%dma_start3A_342, %dma_start3A_343] : memref<320x128xf32, #tpu.memory_space<vmem>> -> memref<64x128xf32, #tpu.memory_space<vmem>>
    %dma_start3A_345 = arith.constant 192 : i32
    %dma_start3A_346 = tpu.memref_slice %arg5[%dma_start3A_341, %dma_start3A_345] : memref<32x320xi32, #tpu.memory_space<vmem>> -> memref<1x64xi32, #tpu.memory_space<vmem>>
    %dma_start3A_347 = tpu.memref_squeeze %dma_start3A_346 : memref<1x64xi32, #tpu.memory_space<vmem>> -> memref<64xi32, #tpu.memory_space<vmem>>
    %dma_start3A_348 = arith.constant 0 : i32
    %dma_start3A_349 = arith.constant 0 : i32
    %dma_start3A_350 = tpu.memref_slice %arg2[%dma_start3A_348, %dma_start3A_349] : memref<320000x128xf32, #tpu.memory_space<hbm>> -> memref<320000x128xf32, #tpu.memory_space<hbm>>
    tpu.enqueue_indirect_dma source(%dma_start3A_350 : memref<320000x128xf32, #tpu.memory_space<hbm>>) target(%dma_start3A_344 : memref<64x128xf32, #tpu.memory_space<vmem>>) offsets(%dma_start3A_347 : memref<64xi32, #tpu.memory_space<vmem>>) semaphore(%arg7 : memref<!tpu.dma_semaphore, #tpu.memory_space<semaphore_mem>>) {add = true}
    %dma_start3A_351 = arith.constant 5 : i32
    %dma_start3A_352 = arith.constant 256 : i32
    %dma_start3A_353 = arith.constant 0 : i32
    %dma_start3A_354 = tpu.memref_slice %arg6[%dma_start3A_352, %dma_start3A_353] : memref<320x128xf32, #tpu.memory_space<vmem>> -> memref<64x128xf32, #tpu.memory_space<vmem>>
    %dma_start3A_355 = arith.constant 256 : i32
    %dma_start3A_356 = tpu.memref_slice %arg5[%dma_start3A_351, %dma_start3A_355] : memref<32x320xi32, #tpu.memory_space<vmem>> -> memref<1x64xi32, #tpu.memory_space<vmem>>
    %dma_start3A_357 = tpu.memref_squeeze %dma_start3A_356 : memref<1x64xi32, #tpu.memory_space<vmem>> -> memref<64xi32, #tpu.memory_space<vmem>>
    %dma_start3A_358 = arith.constant 0 : i32
    %dma_start3A_359 = arith.constant 0 : i32
    %dma_start3A_360 = tpu.memref_slice %arg2[%dma_start3A_358, %dma_start3A_359] : memref<320000x128xf32, #tpu.memory_space<hbm>> -> memref<320000x128xf32, #tpu.memory_space<hbm>>
    tpu.enqueue_indirect_dma source(%dma_start3A_360 : memref<320000x128xf32, #tpu.memory_space<hbm>>) target(%dma_start3A_354 : memref<64x128xf32, #tpu.memory_space<vmem>>) offsets(%dma_start3A_357 : memref<64xi32, #tpu.memory_space<vmem>>) semaphore(%arg7 : memref<!tpu.dma_semaphore, #tpu.memory_space<semaphore_mem>>) {add = true}
    %dma_start3A_361 = arith.constant 6 : i32
    %dma_start3A_362 = arith.constant 0 : i32
    %dma_start3A_363 = arith.constant 0 : i32
    %dma_start3A_364 = tpu.memref_slice %arg6[%dma_start3A_362, %dma_start3A_363] : memref<320x128xf32, #tpu.memory_space<vmem>> -> memref<64x128xf32, #tpu.memory_space<vmem>>
    %dma_start3A_365 = arith.constant 0 : i32
    %dma_start3A_366 = tpu.memref_slice %arg5[%dma_start3A_361, %dma_start3A_365] : memref<32x320xi32, #tpu.memory_space<vmem>> -> memref<1x64xi32, #tpu.memory_space<vmem>>
    %dma_start3A_367 = tpu.memref_squeeze %dma_start3A_366 : memref<1x64xi32, #tpu.memory_space<vmem>> -> memref<64xi32, #tpu.memory_space<vmem>>
    %dma_start3A_368 = arith.constant 0 : i32
    %dma_start3A_369 = arith.constant 0 : i32
    %dma_start3A_370 = tpu.memref_slice %arg2[%dma_start3A_368, %dma_start3A_369] : memref<320000x128xf32, #tpu.memory_space<hbm>> -> memref<320000x128xf32, #tpu.memory_space<hbm>>
    tpu.enqueue_indirect_dma source(%dma_start3A_370 : memref<320000x128xf32, #tpu.memory_space<hbm>>) target(%dma_start3A_364 : memref<64x128xf32, #tpu.memory_space<vmem>>) offsets(%dma_start3A_367 : memref<64xi32, #tpu.memory_space<vmem>>) semaphore(%arg7 : memref<!tpu.dma_semaphore, #tpu.memory_space<semaphore_mem>>) {add = true}
    %dma_start3A_371 = arith.constant 6 : i32
    %dma_start3A_372 = arith.constant 64 : i32
    %dma_start3A_373 = arith.constant 0 : i32
    %dma_start3A_374 = tpu.memref_slice %arg6[%dma_start3A_372, %dma_start3A_373] : memref<320x128xf32, #tpu.memory_space<vmem>> -> memref<64x128xf32, #tpu.memory_space<vmem>>
    %dma_start3A_375 = arith.constant 64 : i32
    %dma_start3A_376 = tpu.memref_slice %arg5[%dma_start3A_371, %dma_start3A_375] : memref<32x320xi32, #tpu.memory_space<vmem>> -> memref<1x64xi32, #tpu.memory_space<vmem>>
    %dma_start3A_377 = tpu.memref_squeeze %dma_start3A_376 : memref<1x64xi32, #tpu.memory_space<vmem>> -> memref<64xi32, #tpu.memory_space<vmem>>
    %dma_start3A_378 = arith.constant 0 : i32
    %dma_start3A_379 = arith.constant 0 : i32
    %dma_start3A_380 = tpu.memref_slice %arg2[%dma_start3A_378, %dma_start3A_379] : memref<320000x128xf32, #tpu.memory_space<hbm>> -> memref<320000x128xf32, #tpu.memory_space<hbm>>
    tpu.enqueue_indirect_dma source(%dma_start3A_380 : memref<320000x128xf32, #tpu.memory_space<hbm>>) target(%dma_start3A_374 : memref<64x128xf32, #tpu.memory_space<vmem>>) offsets(%dma_start3A_377 : memref<64xi32, #tpu.memory_space<vmem>>) semaphore(%arg7 : memref<!tpu.dma_semaphore, #tpu.memory_space<semaphore_mem>>) {add = true}
    %dma_start3A_381 = arith.constant 6 : i32
    %dma_start3A_382 = arith.constant 128 : i32
    %dma_start3A_383 = arith.constant 0 : i32
    %dma_start3A_384 = tpu.memref_slice %arg6[%dma_start3A_382, %dma_start3A_383] : memref<320x128xf32, #tpu.memory_space<vmem>> -> memref<64x128xf32, #tpu.memory_space<vmem>>
    %dma_start3A_385 = arith.constant 128 : i32
    %dma_start3A_386 = tpu.memref_slice %arg5[%dma_start3A_381, %dma_start3A_385] : memref<32x320xi32, #tpu.memory_space<vmem>> -> memref<1x64xi32, #tpu.memory_space<vmem>>
    %dma_start3A_387 = tpu.memref_squeeze %dma_start3A_386 : memref<1x64xi32, #tpu.memory_space<vmem>> -> memref<64xi32, #tpu.memory_space<vmem>>
    %dma_start3A_388 = arith.constant 0 : i32
    %dma_start3A_389 = arith.constant 0 : i32
    %dma_start3A_390 = tpu.memref_slice %arg2[%dma_start3A_388, %dma_start3A_389] : memref<320000x128xf32, #tpu.memory_space<hbm>> -> memref<320000x128xf32, #tpu.memory_space<hbm>>
    tpu.enqueue_indirect_dma source(%dma_start3A_390 : memref<320000x128xf32, #tpu.memory_space<hbm>>) target(%dma_start3A_384 : memref<64x128xf32, #tpu.memory_space<vmem>>) offsets(%dma_start3A_387 : memref<64xi32, #tpu.memory_space<vmem>>) semaphore(%arg7 : memref<!tpu.dma_semaphore, #tpu.memory_space<semaphore_mem>>) {add = true}
    %dma_start3A_391 = arith.constant 6 : i32
    %dma_start3A_392 = arith.constant 192 : i32
    %dma_start3A_393 = arith.constant 0 : i32
    %dma_start3A_394 = tpu.memref_slice %arg6[%dma_start3A_392, %dma_start3A_393] : memref<320x128xf32, #tpu.memory_space<vmem>> -> memref<64x128xf32, #tpu.memory_space<vmem>>
    %dma_start3A_395 = arith.constant 192 : i32
    %dma_start3A_396 = tpu.memref_slice %arg5[%dma_start3A_391, %dma_start3A_395] : memref<32x320xi32, #tpu.memory_space<vmem>> -> memref<1x64xi32, #tpu.memory_space<vmem>>
    %dma_start3A_397 = tpu.memref_squeeze %dma_start3A_396 : memref<1x64xi32, #tpu.memory_space<vmem>> -> memref<64xi32, #tpu.memory_space<vmem>>
    %dma_start3A_398 = arith.constant 0 : i32
    %dma_start3A_399 = arith.constant 0 : i32
    %dma_start3A_400 = tpu.memref_slice %arg2[%dma_start3A_398, %dma_start3A_399] : memref<320000x128xf32, #tpu.memory_space<hbm>> -> memref<320000x128xf32, #tpu.memory_space<hbm>>
    tpu.enqueue_indirect_dma source(%dma_start3A_400 : memref<320000x128xf32, #tpu.memory_space<hbm>>) target(%dma_start3A_394 : memref<64x128xf32, #tpu.memory_space<vmem>>) offsets(%dma_start3A_397 : memref<64xi32, #tpu.memory_space<vmem>>) semaphore(%arg7 : memref<!tpu.dma_semaphore, #tpu.memory_space<semaphore_mem>>) {add = true}
    %dma_start3A_401 = arith.constant 6 : i32
    %dma_start3A_402 = arith.constant 256 : i32
    %dma_start3A_403 = arith.constant 0 : i32
    %dma_start3A_404 = tpu.memref_slice %arg6[%dma_start3A_402, %dma_start3A_403] : memref<320x128xf32, #tpu.memory_space<vmem>> -> memref<64x128xf32, #tpu.memory_space<vmem>>
    %dma_start3A_405 = arith.constant 256 : i32
    %dma_start3A_406 = tpu.memref_slice %arg5[%dma_start3A_401, %dma_start3A_405] : memref<32x320xi32, #tpu.memory_space<vmem>> -> memref<1x64xi32, #tpu.memory_space<vmem>>
    %dma_start3A_407 = tpu.memref_squeeze %dma_start3A_406 : memref<1x64xi32, #tpu.memory_space<vmem>> -> memref<64xi32, #tpu.memory_space<vmem>>
    %dma_start3A_408 = arith.constant 0 : i32
    %dma_start3A_409 = arith.constant 0 : i32
    %dma_start3A_410 = tpu.memref_slice %arg2[%dma_start3A_408, %dma_start3A_409] : memref<320000x128xf32, #tpu.memory_space<hbm>> -> memref<320000x128xf32, #tpu.memory_space<hbm>>
    tpu.enqueue_indirect_dma source(%dma_start3A_410 : memref<320000x128xf32, #tpu.memory_space<hbm>>) target(%dma_start3A_404 : memref<64x128xf32, #tpu.memory_space<vmem>>) offsets(%dma_start3A_407 : memref<64xi32, #tpu.memory_space<vmem>>) semaphore(%arg7 : memref<!tpu.dma_semaphore, #tpu.memory_space<semaphore_mem>>) {add = true}
    %scan3A = arith.constant 0 : i32
    %scan3A_411 = arith.constant 7 : i32
    %scan3A_412 = arith.constant 25 : i32
    %scan3A_413 = arith.addi %scan3A_411, %scan3A_412 : i32
    %scan3A_414 = arith.constant 1 : i32
    scf.for %scan3A_776 = %scan3A_411 to %scan3A_413 step %scan3A_414  : i32 {
      %dma_start3A_777 = arith.constant 0 : i32
      %dma_start3A_778 = arith.constant 0 : i32
      %dma_start3A_779 = tpu.memref_slice %arg6[%dma_start3A_777, %dma_start3A_778] : memref<320x128xf32, #tpu.memory_space<vmem>> -> memref<64x128xf32, #tpu.memory_space<vmem>>
      %dma_start3A_780 = arith.constant 0 : i32
      %dma_start3A_781 = tpu.memref_slice %arg5[%scan3A_776, %dma_start3A_780] : memref<32x320xi32, #tpu.memory_space<vmem>> -> memref<1x64xi32, #tpu.memory_space<vmem>>
      %dma_start3A_782 = tpu.memref_squeeze %dma_start3A_781 : memref<1x64xi32, #tpu.memory_space<vmem>> -> memref<64xi32, #tpu.memory_space<vmem>>
      %dma_start3A_783 = arith.constant 0 : i32
      %dma_start3A_784 = arith.constant 0 : i32
      %dma_start3A_785 = tpu.memref_slice %arg2[%dma_start3A_783, %dma_start3A_784] : memref<320000x128xf32, #tpu.memory_space<hbm>> -> memref<320000x128xf32, #tpu.memory_space<hbm>>
      tpu.enqueue_indirect_dma source(%dma_start3A_785 : memref<320000x128xf32, #tpu.memory_space<hbm>>) target(%dma_start3A_779 : memref<64x128xf32, #tpu.memory_space<vmem>>) offsets(%dma_start3A_782 : memref<64xi32, #tpu.memory_space<vmem>>) semaphore(%arg7 : memref<!tpu.dma_semaphore, #tpu.memory_space<semaphore_mem>>) {add = true}
      %dma_start3A_786 = arith.constant 64 : i32
      %dma_start3A_787 = arith.constant 0 : i32
      %dma_start3A_788 = tpu.memref_slice %arg6[%dma_start3A_786, %dma_start3A_787] : memref<320x128xf32, #tpu.memory_space<vmem>> -> memref<64x128xf32, #tpu.memory_space<vmem>>
      %dma_start3A_789 = arith.constant 64 : i32
      %dma_start3A_790 = tpu.memref_slice %arg5[%scan3A_776, %dma_start3A_789] : memref<32x320xi32, #tpu.memory_space<vmem>> -> memref<1x64xi32, #tpu.memory_space<vmem>>
      %dma_start3A_791 = tpu.memref_squeeze %dma_start3A_790 : memref<1x64xi32, #tpu.memory_space<vmem>> -> memref<64xi32, #tpu.memory_space<vmem>>
      %dma_start3A_792 = arith.constant 0 : i32
      %dma_start3A_793 = arith.constant 0 : i32
      %dma_start3A_794 = tpu.memref_slice %arg2[%dma_start3A_792, %dma_start3A_793] : memref<320000x128xf32, #tpu.memory_space<hbm>> -> memref<320000x128xf32, #tpu.memory_space<hbm>>
      tpu.enqueue_indirect_dma source(%dma_start3A_794 : memref<320000x128xf32, #tpu.memory_space<hbm>>) target(%dma_start3A_788 : memref<64x128xf32, #tpu.memory_space<vmem>>) offsets(%dma_start3A_791 : memref<64xi32, #tpu.memory_space<vmem>>) semaphore(%arg7 : memref<!tpu.dma_semaphore, #tpu.memory_space<semaphore_mem>>) {add = true}
      %dma_start3A_795 = arith.constant 128 : i32
      %dma_start3A_796 = arith.constant 0 : i32
      %dma_start3A_797 = tpu.memref_slice %arg6[%dma_start3A_795, %dma_start3A_796] : memref<320x128xf32, #tpu.memory_space<vmem>> -> memref<64x128xf32, #tpu.memory_space<vmem>>
      %dma_start3A_798 = arith.constant 128 : i32
      %dma_start3A_799 = tpu.memref_slice %arg5[%scan3A_776, %dma_start3A_798] : memref<32x320xi32, #tpu.memory_space<vmem>> -> memref<1x64xi32, #tpu.memory_space<vmem>>
      %dma_start3A_800 = tpu.memref_squeeze %dma_start3A_799 : memref<1x64xi32, #tpu.memory_space<vmem>> -> memref<64xi32, #tpu.memory_space<vmem>>
      %dma_start3A_801 = arith.constant 0 : i32
      %dma_start3A_802 = arith.constant 0 : i32
      %dma_start3A_803 = tpu.memref_slice %arg2[%dma_start3A_801, %dma_start3A_802] : memref<320000x128xf32, #tpu.memory_space<hbm>> -> memref<320000x128xf32, #tpu.memory_space<hbm>>
      tpu.enqueue_indirect_dma source(%dma_start3A_803 : memref<320000x128xf32, #tpu.memory_space<hbm>>) target(%dma_start3A_797 : memref<64x128xf32, #tpu.memory_space<vmem>>) offsets(%dma_start3A_800 : memref<64xi32, #tpu.memory_space<vmem>>) semaphore(%arg7 : memref<!tpu.dma_semaphore, #tpu.memory_space<semaphore_mem>>) {add = true}
      %dma_start3A_804 = arith.constant 192 : i32
      %dma_start3A_805 = arith.constant 0 : i32
      %dma_start3A_806 = tpu.memref_slice %arg6[%dma_start3A_804, %dma_start3A_805] : memref<320x128xf32, #tpu.memory_space<vmem>> -> memref<64x128xf32, #tpu.memory_space<vmem>>
      %dma_start3A_807 = arith.constant 192 : i32
      %dma_start3A_808 = tpu.memref_slice %arg5[%scan3A_776, %dma_start3A_807] : memref<32x320xi32, #tpu.memory_space<vmem>> -> memref<1x64xi32, #tpu.memory_space<vmem>>
      %dma_start3A_809 = tpu.memref_squeeze %dma_start3A_808 : memref<1x64xi32, #tpu.memory_space<vmem>> -> memref<64xi32, #tpu.memory_space<vmem>>
      %dma_start3A_810 = arith.constant 0 : i32
      %dma_start3A_811 = arith.constant 0 : i32
      %dma_start3A_812 = tpu.memref_slice %arg2[%dma_start3A_810, %dma_start3A_811] : memref<320000x128xf32, #tpu.memory_space<hbm>> -> memref<320000x128xf32, #tpu.memory_space<hbm>>
      tpu.enqueue_indirect_dma source(%dma_start3A_812 : memref<320000x128xf32, #tpu.memory_space<hbm>>) target(%dma_start3A_806 : memref<64x128xf32, #tpu.memory_space<vmem>>) offsets(%dma_start3A_809 : memref<64xi32, #tpu.memory_space<vmem>>) semaphore(%arg7 : memref<!tpu.dma_semaphore, #tpu.memory_space<semaphore_mem>>) {add = true}
      %dma_start3A_813 = arith.constant 256 : i32
      %dma_start3A_814 = arith.constant 0 : i32
      %dma_start3A_815 = tpu.memref_slice %arg6[%dma_start3A_813, %dma_start3A_814] : memref<320x128xf32, #tpu.memory_space<vmem>> -> memref<64x128xf32, #tpu.memory_space<vmem>>
      %dma_start3A_816 = arith.constant 256 : i32
      %dma_start3A_817 = tpu.memref_slice %arg5[%scan3A_776, %dma_start3A_816] : memref<32x320xi32, #tpu.memory_space<vmem>> -> memref<1x64xi32, #tpu.memory_space<vmem>>
      %dma_start3A_818 = tpu.memref_squeeze %dma_start3A_817 : memref<1x64xi32, #tpu.memory_space<vmem>> -> memref<64xi32, #tpu.memory_space<vmem>>
      %dma_start3A_819 = arith.constant 0 : i32
      %dma_start3A_820 = arith.constant 0 : i32
      %dma_start3A_821 = tpu.memref_slice %arg2[%dma_start3A_819, %dma_start3A_820] : memref<320000x128xf32, #tpu.memory_space<hbm>> -> memref<320000x128xf32, #tpu.memory_space<hbm>>
      tpu.enqueue_indirect_dma source(%dma_start3A_821 : memref<320000x128xf32, #tpu.memory_space<hbm>>) target(%dma_start3A_815 : memref<64x128xf32, #tpu.memory_space<vmem>>) offsets(%dma_start3A_818 : memref<64xi32, #tpu.memory_space<vmem>>) semaphore(%arg7 : memref<!tpu.dma_semaphore, #tpu.memory_space<semaphore_mem>>) {add = true}
      %dma_wait3A_822 = arith.constant 0 : i32
      %dma_wait3A_823 = arith.constant 0 : i32
      %dma_wait3A_824 = tpu.memref_slice %arg6[%dma_wait3A_822, %dma_wait3A_823] : memref<320x128xf32, #tpu.memory_space<vmem>> -> memref<64x128xf32, #tpu.memory_space<vmem>>
      %dma_wait3A_825 = arith.constant 0 : i32
      %dma_wait3A_826 = arith.constant 0 : i32
      %dma_wait3A_827 = tpu.memref_slice %arg2[%dma_wait3A_825, %dma_wait3A_826] : memref<320000x128xf32, #tpu.memory_space<hbm>> -> memref<64x128xf32, #tpu.memory_space<hbm>>
      %dma_wait3A_828 = arith.constant 0 : i32
      %dma_wait3A_829 = arith.constant 0 : i32
      %dma_wait3A_830 = tpu.memref_slice %arg6[%dma_wait3A_828, %dma_wait3A_829] : memref<320x128xf32, #tpu.memory_space<vmem>> -> memref<64x128xf32, #tpu.memory_space<vmem>>
      %dma_wait3A_831 = arith.constant 0 : i32
      %dma_wait3A_832 = arith.constant 0 : i32
      %dma_wait3A_833 = tpu.memref_slice %arg2[%dma_wait3A_831, %dma_wait3A_832] : memref<320000x128xf32, #tpu.memory_space<hbm>> -> memref<64x128xf32, #tpu.memory_space<hbm>>
      tpu.wait_dma2 semaphore(%arg7 : memref<!tpu.dma_semaphore, #tpu.memory_space<semaphore_mem>>) src(%dma_wait3A_833 : memref<64x128xf32, #tpu.memory_space<hbm>>) dst(%dma_wait3A_830 : memref<64x128xf32, #tpu.memory_space<vmem>>)
      %dma_wait3A_834 = arith.constant 0 : i32
      %dma_wait3A_835 = arith.constant 0 : i32
      %dma_wait3A_836 = tpu.memref_slice %arg6[%dma_wait3A_834, %dma_wait3A_835] : memref<320x128xf32, #tpu.memory_space<vmem>> -> memref<64x128xf32, #tpu.memory_space<vmem>>
      %dma_wait3A_837 = arith.constant 0 : i32
      %dma_wait3A_838 = arith.constant 0 : i32
      %dma_wait3A_839 = tpu.memref_slice %arg2[%dma_wait3A_837, %dma_wait3A_838] : memref<320000x128xf32, #tpu.memory_space<hbm>> -> memref<64x128xf32, #tpu.memory_space<hbm>>
      %dma_wait3A_840 = arith.constant 0 : i32
      %dma_wait3A_841 = arith.constant 0 : i32
      %dma_wait3A_842 = tpu.memref_slice %arg6[%dma_wait3A_840, %dma_wait3A_841] : memref<320x128xf32, #tpu.memory_space<vmem>> -> memref<64x128xf32, #tpu.memory_space<vmem>>
      %dma_wait3A_843 = arith.constant 0 : i32
      %dma_wait3A_844 = arith.constant 0 : i32
      %dma_wait3A_845 = tpu.memref_slice %arg2[%dma_wait3A_843, %dma_wait3A_844] : memref<320000x128xf32, #tpu.memory_space<hbm>> -> memref<64x128xf32, #tpu.memory_space<hbm>>
      tpu.wait_dma2 semaphore(%arg7 : memref<!tpu.dma_semaphore, #tpu.memory_space<semaphore_mem>>) src(%dma_wait3A_845 : memref<64x128xf32, #tpu.memory_space<hbm>>) dst(%dma_wait3A_842 : memref<64x128xf32, #tpu.memory_space<vmem>>)
      %dma_wait3A_846 = arith.constant 0 : i32
      %dma_wait3A_847 = arith.constant 0 : i32
      %dma_wait3A_848 = tpu.memref_slice %arg6[%dma_wait3A_846, %dma_wait3A_847] : memref<320x128xf32, #tpu.memory_space<vmem>> -> memref<64x128xf32, #tpu.memory_space<vmem>>
      %dma_wait3A_849 = arith.constant 0 : i32
      %dma_wait3A_850 = arith.constant 0 : i32
      %dma_wait3A_851 = tpu.memref_slice %arg2[%dma_wait3A_849, %dma_wait3A_850] : memref<320000x128xf32, #tpu.memory_space<hbm>> -> memref<64x128xf32, #tpu.memory_space<hbm>>
      %dma_wait3A_852 = arith.constant 0 : i32
      %dma_wait3A_853 = arith.constant 0 : i32
      %dma_wait3A_854 = tpu.memref_slice %arg6[%dma_wait3A_852, %dma_wait3A_853] : memref<320x128xf32, #tpu.memory_space<vmem>> -> memref<64x128xf32, #tpu.memory_space<vmem>>
      %dma_wait3A_855 = arith.constant 0 : i32
      %dma_wait3A_856 = arith.constant 0 : i32
      %dma_wait3A_857 = tpu.memref_slice %arg2[%dma_wait3A_855, %dma_wait3A_856] : memref<320000x128xf32, #tpu.memory_space<hbm>> -> memref<64x128xf32, #tpu.memory_space<hbm>>
      tpu.wait_dma2 semaphore(%arg7 : memref<!tpu.dma_semaphore, #tpu.memory_space<semaphore_mem>>) src(%dma_wait3A_857 : memref<64x128xf32, #tpu.memory_space<hbm>>) dst(%dma_wait3A_854 : memref<64x128xf32, #tpu.memory_space<vmem>>)
      %dma_wait3A_858 = arith.constant 0 : i32
      %dma_wait3A_859 = arith.constant 0 : i32
      %dma_wait3A_860 = tpu.memref_slice %arg6[%dma_wait3A_858, %dma_wait3A_859] : memref<320x128xf32, #tpu.memory_space<vmem>> -> memref<64x128xf32, #tpu.memory_space<vmem>>
      %dma_wait3A_861 = arith.constant 0 : i32
      %dma_wait3A_862 = arith.constant 0 : i32
      %dma_wait3A_863 = tpu.memref_slice %arg2[%dma_wait3A_861, %dma_wait3A_862] : memref<320000x128xf32, #tpu.memory_space<hbm>> -> memref<64x128xf32, #tpu.memory_space<hbm>>
      %dma_wait3A_864 = arith.constant 0 : i32
      %dma_wait3A_865 = arith.constant 0 : i32
      %dma_wait3A_866 = tpu.memref_slice %arg6[%dma_wait3A_864, %dma_wait3A_865] : memref<320x128xf32, #tpu.memory_space<vmem>> -> memref<64x128xf32, #tpu.memory_space<vmem>>
      %dma_wait3A_867 = arith.constant 0 : i32
      %dma_wait3A_868 = arith.constant 0 : i32
      %dma_wait3A_869 = tpu.memref_slice %arg2[%dma_wait3A_867, %dma_wait3A_868] : memref<320000x128xf32, #tpu.memory_space<hbm>> -> memref<64x128xf32, #tpu.memory_space<hbm>>
      tpu.wait_dma2 semaphore(%arg7 : memref<!tpu.dma_semaphore, #tpu.memory_space<semaphore_mem>>) src(%dma_wait3A_869 : memref<64x128xf32, #tpu.memory_space<hbm>>) dst(%dma_wait3A_866 : memref<64x128xf32, #tpu.memory_space<vmem>>)
      %dma_wait3A_870 = arith.constant 0 : i32
      %dma_wait3A_871 = arith.constant 0 : i32
      %dma_wait3A_872 = tpu.memref_slice %arg6[%dma_wait3A_870, %dma_wait3A_871] : memref<320x128xf32, #tpu.memory_space<vmem>> -> memref<64x128xf32, #tpu.memory_space<vmem>>
      %dma_wait3A_873 = arith.constant 0 : i32
      %dma_wait3A_874 = arith.constant 0 : i32
      %dma_wait3A_875 = tpu.memref_slice %arg2[%dma_wait3A_873, %dma_wait3A_874] : memref<320000x128xf32, #tpu.memory_space<hbm>> -> memref<64x128xf32, #tpu.memory_space<hbm>>
      %dma_wait3A_876 = arith.constant 0 : i32
      %dma_wait3A_877 = arith.constant 0 : i32
      %dma_wait3A_878 = tpu.memref_slice %arg6[%dma_wait3A_876, %dma_wait3A_877] : memref<320x128xf32, #tpu.memory_space<vmem>> -> memref<64x128xf32, #tpu.memory_space<vmem>>
      %dma_wait3A_879 = arith.constant 0 : i32
      %dma_wait3A_880 = arith.constant 0 : i32
      %dma_wait3A_881 = tpu.memref_slice %arg2[%dma_wait3A_879, %dma_wait3A_880] : memref<320000x128xf32, #tpu.memory_space<hbm>> -> memref<64x128xf32, #tpu.memory_space<hbm>>
      tpu.wait_dma2 semaphore(%arg7 : memref<!tpu.dma_semaphore, #tpu.memory_space<semaphore_mem>>) src(%dma_wait3A_881 : memref<64x128xf32, #tpu.memory_space<hbm>>) dst(%dma_wait3A_878 : memref<64x128xf32, #tpu.memory_space<vmem>>)
    }
    %scan3A_415 = arith.constant 25 : i32
    %dma_wait3A_416 = arith.constant 0 : i32
    %dma_wait3A_417 = arith.constant 0 : i32
    %dma_wait3A_418 = tpu.memref_slice %arg6[%dma_wait3A_416, %dma_wait3A_417] : memref<320x128xf32, #tpu.memory_space<vmem>> -> memref<64x128xf32, #tpu.memory_space<vmem>>
    %dma_wait3A_419 = arith.constant 0 : i32
    %dma_wait3A_420 = arith.constant 0 : i32
    %dma_wait3A_421 = tpu.memref_slice %arg2[%dma_wait3A_419, %dma_wait3A_420] : memref<320000x128xf32, #tpu.memory_space<hbm>> -> memref<64x128xf32, #tpu.memory_space<hbm>>
    %dma_wait3A_422 = arith.constant 0 : i32
    %dma_wait3A_423 = arith.constant 0 : i32
    %dma_wait3A_424 = tpu.memref_slice %arg6[%dma_wait3A_422, %dma_wait3A_423] : memref<320x128xf32, #tpu.memory_space<vmem>> -> memref<64x128xf32, #tpu.memory_space<vmem>>
    %dma_wait3A_425 = arith.constant 0 : i32
    %dma_wait3A_426 = arith.constant 0 : i32
    %dma_wait3A_427 = tpu.memref_slice %arg2[%dma_wait3A_425, %dma_wait3A_426] : memref<320000x128xf32, #tpu.memory_space<hbm>> -> memref<64x128xf32, #tpu.memory_space<hbm>>
    tpu.wait_dma2 semaphore(%arg7 : memref<!tpu.dma_semaphore, #tpu.memory_space<semaphore_mem>>) src(%dma_wait3A_427 : memref<64x128xf32, #tpu.memory_space<hbm>>) dst(%dma_wait3A_424 : memref<64x128xf32, #tpu.memory_space<vmem>>)
    %dma_wait3A_428 = arith.constant 0 : i32
    %dma_wait3A_429 = arith.constant 0 : i32
    %dma_wait3A_430 = tpu.memref_slice %arg6[%dma_wait3A_428, %dma_wait3A_429] : memref<320x128xf32, #tpu.memory_space<vmem>> -> memref<64x128xf32, #tpu.memory_space<vmem>>
    %dma_wait3A_431 = arith.constant 0 : i32
    %dma_wait3A_432 = arith.constant 0 : i32
    %dma_wait3A_433 = tpu.memref_slice %arg2[%dma_wait3A_431, %dma_wait3A_432] : memref<320000x128xf32, #tpu.memory_space<hbm>> -> memref<64x128xf32, #tpu.memory_space<hbm>>
    %dma_wait3A_434 = arith.constant 0 : i32
    %dma_wait3A_435 = arith.constant 0 : i32
    %dma_wait3A_436 = tpu.memref_slice %arg6[%dma_wait3A_434, %dma_wait3A_435] : memref<320x128xf32, #tpu.memory_space<vmem>> -> memref<64x128xf32, #tpu.memory_space<vmem>>
    %dma_wait3A_437 = arith.constant 0 : i32
    %dma_wait3A_438 = arith.constant 0 : i32
    %dma_wait3A_439 = tpu.memref_slice %arg2[%dma_wait3A_437, %dma_wait3A_438] : memref<320000x128xf32, #tpu.memory_space<hbm>> -> memref<64x128xf32, #tpu.memory_space<hbm>>
    tpu.wait_dma2 semaphore(%arg7 : memref<!tpu.dma_semaphore, #tpu.memory_space<semaphore_mem>>) src(%dma_wait3A_439 : memref<64x128xf32, #tpu.memory_space<hbm>>) dst(%dma_wait3A_436 : memref<64x128xf32, #tpu.memory_space<vmem>>)
    %dma_wait3A_440 = arith.constant 0 : i32
    %dma_wait3A_441 = arith.constant 0 : i32
    %dma_wait3A_442 = tpu.memref_slice %arg6[%dma_wait3A_440, %dma_wait3A_441] : memref<320x128xf32, #tpu.memory_space<vmem>> -> memref<64x128xf32, #tpu.memory_space<vmem>>
    %dma_wait3A_443 = arith.constant 0 : i32
    %dma_wait3A_444 = arith.constant 0 : i32
    %dma_wait3A_445 = tpu.memref_slice %arg2[%dma_wait3A_443, %dma_wait3A_444] : memref<320000x128xf32, #tpu.memory_space<hbm>> -> memref<64x128xf32, #tpu.memory_space<hbm>>
    %dma_wait3A_446 = arith.constant 0 : i32
    %dma_wait3A_447 = arith.constant 0 : i32
    %dma_wait3A_448 = tpu.memref_slice %arg6[%dma_wait3A_446, %dma_wait3A_447] : memref<320x128xf32, #tpu.memory_space<vmem>> -> memref<64x128xf32, #tpu.memory_space<vmem>>
    %dma_wait3A_449 = arith.constant 0 : i32
    %dma_wait3A_450 = arith.constant 0 : i32
    %dma_wait3A_451 = tpu.memref_slice %arg2[%dma_wait3A_449, %dma_wait3A_450] : memref<320000x128xf32, #tpu.memory_space<hbm>> -> memref<64x128xf32, #tpu.memory_space<hbm>>
    tpu.wait_dma2 semaphore(%arg7 : memref<!tpu.dma_semaphore, #tpu.memory_space<semaphore_mem>>) src(%dma_wait3A_451 : memref<64x128xf32, #tpu.memory_space<hbm>>) dst(%dma_wait3A_448 : memref<64x128xf32, #tpu.memory_space<vmem>>)
    %dma_wait3A_452 = arith.constant 0 : i32
    %dma_wait3A_453 = arith.constant 0 : i32
    %dma_wait3A_454 = tpu.memref_slice %arg6[%dma_wait3A_452, %dma_wait3A_453] : memref<320x128xf32, #tpu.memory_space<vmem>> -> memref<64x128xf32, #tpu.memory_space<vmem>>
    %dma_wait3A_455 = arith.constant 0 : i32
    %dma_wait3A_456 = arith.constant 0 : i32
    %dma_wait3A_457 = tpu.memref_slice %arg2[%dma_wait3A_455, %dma_wait3A_456] : memref<320000x128xf32, #tpu.memory_space<hbm>> -> memref<64x128xf32, #tpu.memory_space<hbm>>
    %dma_wait3A_458 = arith.constant 0 : i32
    %dma_wait3A_459 = arith.constant 0 : i32
    %dma_wait3A_460 = tpu.memref_slice %arg6[%dma_wait3A_458, %dma_wait3A_459] : memref<320x128xf32, #tpu.memory_space<vmem>> -> memref<64x128xf32, #tpu.memory_space<vmem>>
    %dma_wait3A_461 = arith.constant 0 : i32
    %dma_wait3A_462 = arith.constant 0 : i32
    %dma_wait3A_463 = tpu.memref_slice %arg2[%dma_wait3A_461, %dma_wait3A_462] : memref<320000x128xf32, #tpu.memory_space<hbm>> -> memref<64x128xf32, #tpu.memory_space<hbm>>
    tpu.wait_dma2 semaphore(%arg7 : memref<!tpu.dma_semaphore, #tpu.memory_space<semaphore_mem>>) src(%dma_wait3A_463 : memref<64x128xf32, #tpu.memory_space<hbm>>) dst(%dma_wait3A_460 : memref<64x128xf32, #tpu.memory_space<vmem>>)
    %dma_wait3A_464 = arith.constant 0 : i32
    %dma_wait3A_465 = arith.constant 0 : i32
    %dma_wait3A_466 = tpu.memref_slice %arg6[%dma_wait3A_464, %dma_wait3A_465] : memref<320x128xf32, #tpu.memory_space<vmem>> -> memref<64x128xf32, #tpu.memory_space<vmem>>
    %dma_wait3A_467 = arith.constant 0 : i32
    %dma_wait3A_468 = arith.constant 0 : i32
    %dma_wait3A_469 = tpu.memref_slice %arg2[%dma_wait3A_467, %dma_wait3A_468] : memref<320000x128xf32, #tpu.memory_space<hbm>> -> memref<64x128xf32, #tpu.memory_space<hbm>>
    %dma_wait3A_470 = arith.constant 0 : i32
    %dma_wait3A_471 = arith.constant 0 : i32
    %dma_wait3A_472 = tpu.memref_slice %arg6[%dma_wait3A_470, %dma_wait3A_471] : memref<320x128xf32, #tpu.memory_space<vmem>> -> memref<64x128xf32, #tpu.memory_space<vmem>>
    %dma_wait3A_473 = arith.constant 0 : i32
    %dma_wait3A_474 = arith.constant 0 : i32
    %dma_wait3A_475 = tpu.memref_slice %arg2[%dma_wait3A_473, %dma_wait3A_474] : memref<320000x128xf32, #tpu.memory_space<hbm>> -> memref<64x128xf32, #tpu.memory_space<hbm>>
    tpu.wait_dma2 semaphore(%arg7 : memref<!tpu.dma_semaphore, #tpu.memory_space<semaphore_mem>>) src(%dma_wait3A_475 : memref<64x128xf32, #tpu.memory_space<hbm>>) dst(%dma_wait3A_472 : memref<64x128xf32, #tpu.memory_space<vmem>>)
    %dma_wait3A_476 = arith.constant 0 : i32
    %dma_wait3A_477 = arith.constant 0 : i32
    %dma_wait3A_478 = tpu.memref_slice %arg6[%dma_wait3A_476, %dma_wait3A_477] : memref<320x128xf32, #tpu.memory_space<vmem>> -> memref<64x128xf32, #tpu.memory_space<vmem>>
    %dma_wait3A_479 = arith.constant 0 : i32
    %dma_wait3A_480 = arith.constant 0 : i32
    %dma_wait3A_481 = tpu.memref_slice %arg2[%dma_wait3A_479, %dma_wait3A_480] : memref<320000x128xf32, #tpu.memory_space<hbm>> -> memref<64x128xf32, #tpu.memory_space<hbm>>
    %dma_wait3A_482 = arith.constant 0 : i32
    %dma_wait3A_483 = arith.constant 0 : i32
    %dma_wait3A_484 = tpu.memref_slice %arg6[%dma_wait3A_482, %dma_wait3A_483] : memref<320x128xf32, #tpu.memory_space<vmem>> -> memref<64x128xf32, #tpu.memory_space<vmem>>
    %dma_wait3A_485 = arith.constant 0 : i32
    %dma_wait3A_486 = arith.constant 0 : i32
    %dma_wait3A_487 = tpu.memref_slice %arg2[%dma_wait3A_485, %dma_wait3A_486] : memref<320000x128xf32, #tpu.memory_space<hbm>> -> memref<64x128xf32, #tpu.memory_space<hbm>>
    tpu.wait_dma2 semaphore(%arg7 : memref<!tpu.dma_semaphore, #tpu.memory_space<semaphore_mem>>) src(%dma_wait3A_487 : memref<64x128xf32, #tpu.memory_space<hbm>>) dst(%dma_wait3A_484 : memref<64x128xf32, #tpu.memory_space<vmem>>)
    %dma_wait3A_488 = arith.constant 0 : i32
    %dma_wait3A_489 = arith.constant 0 : i32
    %dma_wait3A_490 = tpu.memref_slice %arg6[%dma_wait3A_488, %dma_wait3A_489] : memref<320x128xf32, #tpu.memory_space<vmem>> -> memref<64x128xf32, #tpu.memory_space<vmem>>
    %dma_wait3A_491 = arith.constant 0 : i32
    %dma_wait3A_492 = arith.constant 0 : i32
    %dma_wait3A_493 = tpu.memref_slice %arg2[%dma_wait3A_491, %dma_wait3A_492] : memref<320000x128xf32, #tpu.memory_space<hbm>> -> memref<64x128xf32, #tpu.memory_space<hbm>>
    %dma_wait3A_494 = arith.constant 0 : i32
    %dma_wait3A_495 = arith.constant 0 : i32
    %dma_wait3A_496 = tpu.memref_slice %arg6[%dma_wait3A_494, %dma_wait3A_495] : memref<320x128xf32, #tpu.memory_space<vmem>> -> memref<64x128xf32, #tpu.memory_space<vmem>>
    %dma_wait3A_497 = arith.constant 0 : i32
    %dma_wait3A_498 = arith.constant 0 : i32
    %dma_wait3A_499 = tpu.memref_slice %arg2[%dma_wait3A_497, %dma_wait3A_498] : memref<320000x128xf32, #tpu.memory_space<hbm>> -> memref<64x128xf32, #tpu.memory_space<hbm>>
    tpu.wait_dma2 semaphore(%arg7 : memref<!tpu.dma_semaphore, #tpu.memory_space<semaphore_mem>>) src(%dma_wait3A_499 : memref<64x128xf32, #tpu.memory_space<hbm>>) dst(%dma_wait3A_496 : memref<64x128xf32, #tpu.memory_space<vmem>>)
    %dma_wait3A_500 = arith.constant 0 : i32
    %dma_wait3A_501 = arith.constant 0 : i32
    %dma_wait3A_502 = tpu.memref_slice %arg6[%dma_wait3A_500, %dma_wait3A_501] : memref<320x128xf32, #tpu.memory_space<vmem>> -> memref<64x128xf32, #tpu.memory_space<vmem>>
    %dma_wait3A_503 = arith.constant 0 : i32
    %dma_wait3A_504 = arith.constant 0 : i32
    %dma_wait3A_505 = tpu.memref_slice %arg2[%dma_wait3A_503, %dma_wait3A_504] : memref<320000x128xf32, #tpu.memory_space<hbm>> -> memref<64x128xf32, #tpu.memory_space<hbm>>
    %dma_wait3A_506 = arith.constant 0 : i32
    %dma_wait3A_507 = arith.constant 0 : i32
    %dma_wait3A_508 = tpu.memref_slice %arg6[%dma_wait3A_506, %dma_wait3A_507] : memref<320x128xf32, #tpu.memory_space<vmem>> -> memref<64x128xf32, #tpu.memory_space<vmem>>
    %dma_wait3A_509 = arith.constant 0 : i32
    %dma_wait3A_510 = arith.constant 0 : i32
    %dma_wait3A_511 = tpu.memref_slice %arg2[%dma_wait3A_509, %dma_wait3A_510] : memref<320000x128xf32, #tpu.memory_space<hbm>> -> memref<64x128xf32, #tpu.memory_space<hbm>>
    tpu.wait_dma2 semaphore(%arg7 : memref<!tpu.dma_semaphore, #tpu.memory_space<semaphore_mem>>) src(%dma_wait3A_511 : memref<64x128xf32, #tpu.memory_space<hbm>>) dst(%dma_wait3A_508 : memref<64x128xf32, #tpu.memory_space<vmem>>)
    %dma_wait3A_512 = arith.constant 0 : i32
    %dma_wait3A_513 = arith.constant 0 : i32
    %dma_wait3A_514 = tpu.memref_slice %arg6[%dma_wait3A_512, %dma_wait3A_513] : memref<320x128xf32, #tpu.memory_space<vmem>> -> memref<64x128xf32, #tpu.memory_space<vmem>>
    %dma_wait3A_515 = arith.constant 0 : i32
    %dma_wait3A_516 = arith.constant 0 : i32
    %dma_wait3A_517 = tpu.memref_slice %arg2[%dma_wait3A_515, %dma_wait3A_516] : memref<320000x128xf32, #tpu.memory_space<hbm>> -> memref<64x128xf32, #tpu.memory_space<hbm>>
    %dma_wait3A_518 = arith.constant 0 : i32
    %dma_wait3A_519 = arith.constant 0 : i32
    %dma_wait3A_520 = tpu.memref_slice %arg6[%dma_wait3A_518, %dma_wait3A_519] : memref<320x128xf32, #tpu.memory_space<vmem>> -> memref<64x128xf32, #tpu.memory_space<vmem>>
    %dma_wait3A_521 = arith.constant 0 : i32
    %dma_wait3A_522 = arith.constant 0 : i32
    %dma_wait3A_523 = tpu.memref_slice %arg2[%dma_wait3A_521, %dma_wait3A_522] : memref<320000x128xf32, #tpu.memory_space<hbm>> -> memref<64x128xf32, #tpu.memory_space<hbm>>
    tpu.wait_dma2 semaphore(%arg7 : memref<!tpu.dma_semaphore, #tpu.memory_space<semaphore_mem>>) src(%dma_wait3A_523 : memref<64x128xf32, #tpu.memory_space<hbm>>) dst(%dma_wait3A_520 : memref<64x128xf32, #tpu.memory_space<vmem>>)
    %dma_wait3A_524 = arith.constant 0 : i32
    %dma_wait3A_525 = arith.constant 0 : i32
    %dma_wait3A_526 = tpu.memref_slice %arg6[%dma_wait3A_524, %dma_wait3A_525] : memref<320x128xf32, #tpu.memory_space<vmem>> -> memref<64x128xf32, #tpu.memory_space<vmem>>
    %dma_wait3A_527 = arith.constant 0 : i32
    %dma_wait3A_528 = arith.constant 0 : i32
    %dma_wait3A_529 = tpu.memref_slice %arg2[%dma_wait3A_527, %dma_wait3A_528] : memref<320000x128xf32, #tpu.memory_space<hbm>> -> memref<64x128xf32, #tpu.memory_space<hbm>>
    %dma_wait3A_530 = arith.constant 0 : i32
    %dma_wait3A_531 = arith.constant 0 : i32
    %dma_wait3A_532 = tpu.memref_slice %arg6[%dma_wait3A_530, %dma_wait3A_531] : memref<320x128xf32, #tpu.memory_space<vmem>> -> memref<64x128xf32, #tpu.memory_space<vmem>>
    %dma_wait3A_533 = arith.constant 0 : i32
    %dma_wait3A_534 = arith.constant 0 : i32
    %dma_wait3A_535 = tpu.memref_slice %arg2[%dma_wait3A_533, %dma_wait3A_534] : memref<320000x128xf32, #tpu.memory_space<hbm>> -> memref<64x128xf32, #tpu.memory_space<hbm>>
    tpu.wait_dma2 semaphore(%arg7 : memref<!tpu.dma_semaphore, #tpu.memory_space<semaphore_mem>>) src(%dma_wait3A_535 : memref<64x128xf32, #tpu.memory_space<hbm>>) dst(%dma_wait3A_532 : memref<64x128xf32, #tpu.memory_space<vmem>>)
    %dma_wait3A_536 = arith.constant 0 : i32
    %dma_wait3A_537 = arith.constant 0 : i32
    %dma_wait3A_538 = tpu.memref_slice %arg6[%dma_wait3A_536, %dma_wait3A_537] : memref<320x128xf32, #tpu.memory_space<vmem>> -> memref<64x128xf32, #tpu.memory_space<vmem>>
    %dma_wait3A_539 = arith.constant 0 : i32
    %dma_wait3A_540 = arith.constant 0 : i32
    %dma_wait3A_541 = tpu.memref_slice %arg2[%dma_wait3A_539, %dma_wait3A_540] : memref<320000x128xf32, #tpu.memory_space<hbm>> -> memref<64x128xf32, #tpu.memory_space<hbm>>
    %dma_wait3A_542 = arith.constant 0 : i32
    %dma_wait3A_543 = arith.constant 0 : i32
    %dma_wait3A_544 = tpu.memref_slice %arg6[%dma_wait3A_542, %dma_wait3A_543] : memref<320x128xf32, #tpu.memory_space<vmem>> -> memref<64x128xf32, #tpu.memory_space<vmem>>
    %dma_wait3A_545 = arith.constant 0 : i32
    %dma_wait3A_546 = arith.constant 0 : i32
    %dma_wait3A_547 = tpu.memref_slice %arg2[%dma_wait3A_545, %dma_wait3A_546] : memref<320000x128xf32, #tpu.memory_space<hbm>> -> memref<64x128xf32, #tpu.memory_space<hbm>>
    tpu.wait_dma2 semaphore(%arg7 : memref<!tpu.dma_semaphore, #tpu.memory_space<semaphore_mem>>) src(%dma_wait3A_547 : memref<64x128xf32, #tpu.memory_space<hbm>>) dst(%dma_wait3A_544 : memref<64x128xf32, #tpu.memory_space<vmem>>)
    %dma_wait3A_548 = arith.constant 0 : i32
    %dma_wait3A_549 = arith.constant 0 : i32
    %dma_wait3A_550 = tpu.memref_slice %arg6[%dma_wait3A_548, %dma_wait3A_549] : memref<320x128xf32, #tpu.memory_space<vmem>> -> memref<64x128xf32, #tpu.memory_space<vmem>>
    %dma_wait3A_551 = arith.constant 0 : i32
    %dma_wait3A_552 = arith.constant 0 : i32
    %dma_wait3A_553 = tpu.memref_slice %arg2[%dma_wait3A_551, %dma_wait3A_552] : memref<320000x128xf32, #tpu.memory_space<hbm>> -> memref<64x128xf32, #tpu.memory_space<hbm>>
    %dma_wait3A_554 = arith.constant 0 : i32
    %dma_wait3A_555 = arith.constant 0 : i32
    %dma_wait3A_556 = tpu.memref_slice %arg6[%dma_wait3A_554, %dma_wait3A_555] : memref<320x128xf32, #tpu.memory_space<vmem>> -> memref<64x128xf32, #tpu.memory_space<vmem>>
    %dma_wait3A_557 = arith.constant 0 : i32
    %dma_wait3A_558 = arith.constant 0 : i32
    %dma_wait3A_559 = tpu.memref_slice %arg2[%dma_wait3A_557, %dma_wait3A_558] : memref<320000x128xf32, #tpu.memory_space<hbm>> -> memref<64x128xf32, #tpu.memory_space<hbm>>
    tpu.wait_dma2 semaphore(%arg7 : memref<!tpu.dma_semaphore, #tpu.memory_space<semaphore_mem>>) src(%dma_wait3A_559 : memref<64x128xf32, #tpu.memory_space<hbm>>) dst(%dma_wait3A_556 : memref<64x128xf32, #tpu.memory_space<vmem>>)
    %dma_wait3A_560 = arith.constant 0 : i32
    %dma_wait3A_561 = arith.constant 0 : i32
    %dma_wait3A_562 = tpu.memref_slice %arg6[%dma_wait3A_560, %dma_wait3A_561] : memref<320x128xf32, #tpu.memory_space<vmem>> -> memref<64x128xf32, #tpu.memory_space<vmem>>
    %dma_wait3A_563 = arith.constant 0 : i32
    %dma_wait3A_564 = arith.constant 0 : i32
    %dma_wait3A_565 = tpu.memref_slice %arg2[%dma_wait3A_563, %dma_wait3A_564] : memref<320000x128xf32, #tpu.memory_space<hbm>> -> memref<64x128xf32, #tpu.memory_space<hbm>>
    %dma_wait3A_566 = arith.constant 0 : i32
    %dma_wait3A_567 = arith.constant 0 : i32
    %dma_wait3A_568 = tpu.memref_slice %arg6[%dma_wait3A_566, %dma_wait3A_567] : memref<320x128xf32, #tpu.memory_space<vmem>> -> memref<64x128xf32, #tpu.memory_space<vmem>>
    %dma_wait3A_569 = arith.constant 0 : i32
    %dma_wait3A_570 = arith.constant 0 : i32
    %dma_wait3A_571 = tpu.memref_slice %arg2[%dma_wait3A_569, %dma_wait3A_570] : memref<320000x128xf32, #tpu.memory_space<hbm>> -> memref<64x128xf32, #tpu.memory_space<hbm>>
    tpu.wait_dma2 semaphore(%arg7 : memref<!tpu.dma_semaphore, #tpu.memory_space<semaphore_mem>>) src(%dma_wait3A_571 : memref<64x128xf32, #tpu.memory_space<hbm>>) dst(%dma_wait3A_568 : memref<64x128xf32, #tpu.memory_space<vmem>>)
    %dma_wait3A_572 = arith.constant 0 : i32
    %dma_wait3A_573 = arith.constant 0 : i32
    %dma_wait3A_574 = tpu.memref_slice %arg6[%dma_wait3A_572, %dma_wait3A_573] : memref<320x128xf32, #tpu.memory_space<vmem>> -> memref<64x128xf32, #tpu.memory_space<vmem>>
    %dma_wait3A_575 = arith.constant 0 : i32
    %dma_wait3A_576 = arith.constant 0 : i32
    %dma_wait3A_577 = tpu.memref_slice %arg2[%dma_wait3A_575, %dma_wait3A_576] : memref<320000x128xf32, #tpu.memory_space<hbm>> -> memref<64x128xf32, #tpu.memory_space<hbm>>
    %dma_wait3A_578 = arith.constant 0 : i32
    %dma_wait3A_579 = arith.constant 0 : i32
    %dma_wait3A_580 = tpu.memref_slice %arg6[%dma_wait3A_578, %dma_wait3A_579] : memref<320x128xf32, #tpu.memory_space<vmem>> -> memref<64x128xf32, #tpu.memory_space<vmem>>
    %dma_wait3A_581 = arith.constant 0 : i32
    %dma_wait3A_582 = arith.constant 0 : i32
    %dma_wait3A_583 = tpu.memref_slice %arg2[%dma_wait3A_581, %dma_wait3A_582] : memref<320000x128xf32, #tpu.memory_space<hbm>> -> memref<64x128xf32, #tpu.memory_space<hbm>>
    tpu.wait_dma2 semaphore(%arg7 : memref<!tpu.dma_semaphore, #tpu.memory_space<semaphore_mem>>) src(%dma_wait3A_583 : memref<64x128xf32, #tpu.memory_space<hbm>>) dst(%dma_wait3A_580 : memref<64x128xf32, #tpu.memory_space<vmem>>)
    %dma_wait3A_584 = arith.constant 0 : i32
    %dma_wait3A_585 = arith.constant 0 : i32
    %dma_wait3A_586 = tpu.memref_slice %arg6[%dma_wait3A_584, %dma_wait3A_585] : memref<320x128xf32, #tpu.memory_space<vmem>> -> memref<64x128xf32, #tpu.memory_space<vmem>>
    %dma_wait3A_587 = arith.constant 0 : i32
    %dma_wait3A_588 = arith.constant 0 : i32
    %dma_wait3A_589 = tpu.memref_slice %arg2[%dma_wait3A_587, %dma_wait3A_588] : memref<320000x128xf32, #tpu.memory_space<hbm>> -> memref<64x128xf32, #tpu.memory_space<hbm>>
    %dma_wait3A_590 = arith.constant 0 : i32
    %dma_wait3A_591 = arith.constant 0 : i32
    %dma_wait3A_592 = tpu.memref_slice %arg6[%dma_wait3A_590, %dma_wait3A_591] : memref<320x128xf32, #tpu.memory_space<vmem>> -> memref<64x128xf32, #tpu.memory_space<vmem>>
    %dma_wait3A_593 = arith.constant 0 : i32
    %dma_wait3A_594 = arith.constant 0 : i32
    %dma_wait3A_595 = tpu.memref_slice %arg2[%dma_wait3A_593, %dma_wait3A_594] : memref<320000x128xf32, #tpu.memory_space<hbm>> -> memref<64x128xf32, #tpu.memory_space<hbm>>
    tpu.wait_dma2 semaphore(%arg7 : memref<!tpu.dma_semaphore, #tpu.memory_space<semaphore_mem>>) src(%dma_wait3A_595 : memref<64x128xf32, #tpu.memory_space<hbm>>) dst(%dma_wait3A_592 : memref<64x128xf32, #tpu.memory_space<vmem>>)
    %dma_wait3A_596 = arith.constant 0 : i32
    %dma_wait3A_597 = arith.constant 0 : i32
    %dma_wait3A_598 = tpu.memref_slice %arg6[%dma_wait3A_596, %dma_wait3A_597] : memref<320x128xf32, #tpu.memory_space<vmem>> -> memref<64x128xf32, #tpu.memory_space<vmem>>
    %dma_wait3A_599 = arith.constant 0 : i32
    %dma_wait3A_600 = arith.constant 0 : i32
    %dma_wait3A_601 = tpu.memref_slice %arg2[%dma_wait3A_599, %dma_wait3A_600] : memref<320000x128xf32, #tpu.memory_space<hbm>> -> memref<64x128xf32, #tpu.memory_space<hbm>>
    %dma_wait3A_602 = arith.constant 0 : i32
    %dma_wait3A_603 = arith.constant 0 : i32
    %dma_wait3A_604 = tpu.memref_slice %arg6[%dma_wait3A_602, %dma_wait3A_603] : memref<320x128xf32, #tpu.memory_space<vmem>> -> memref<64x128xf32, #tpu.memory_space<vmem>>
    %dma_wait3A_605 = arith.constant 0 : i32
    %dma_wait3A_606 = arith.constant 0 : i32
    %dma_wait3A_607 = tpu.memref_slice %arg2[%dma_wait3A_605, %dma_wait3A_606] : memref<320000x128xf32, #tpu.memory_space<hbm>> -> memref<64x128xf32, #tpu.memory_space<hbm>>
    tpu.wait_dma2 semaphore(%arg7 : memref<!tpu.dma_semaphore, #tpu.memory_space<semaphore_mem>>) src(%dma_wait3A_607 : memref<64x128xf32, #tpu.memory_space<hbm>>) dst(%dma_wait3A_604 : memref<64x128xf32, #tpu.memory_space<vmem>>)
    %dma_wait3A_608 = arith.constant 0 : i32
    %dma_wait3A_609 = arith.constant 0 : i32
    %dma_wait3A_610 = tpu.memref_slice %arg6[%dma_wait3A_608, %dma_wait3A_609] : memref<320x128xf32, #tpu.memory_space<vmem>> -> memref<64x128xf32, #tpu.memory_space<vmem>>
    %dma_wait3A_611 = arith.constant 0 : i32
    %dma_wait3A_612 = arith.constant 0 : i32
    %dma_wait3A_613 = tpu.memref_slice %arg2[%dma_wait3A_611, %dma_wait3A_612] : memref<320000x128xf32, #tpu.memory_space<hbm>> -> memref<64x128xf32, #tpu.memory_space<hbm>>
    %dma_wait3A_614 = arith.constant 0 : i32
    %dma_wait3A_615 = arith.constant 0 : i32
    %dma_wait3A_616 = tpu.memref_slice %arg6[%dma_wait3A_614, %dma_wait3A_615] : memref<320x128xf32, #tpu.memory_space<vmem>> -> memref<64x128xf32, #tpu.memory_space<vmem>>
    %dma_wait3A_617 = arith.constant 0 : i32
    %dma_wait3A_618 = arith.constant 0 : i32
    %dma_wait3A_619 = tpu.memref_slice %arg2[%dma_wait3A_617, %dma_wait3A_618] : memref<320000x128xf32, #tpu.memory_space<hbm>> -> memref<64x128xf32, #tpu.memory_space<hbm>>
    tpu.wait_dma2 semaphore(%arg7 : memref<!tpu.dma_semaphore, #tpu.memory_space<semaphore_mem>>) src(%dma_wait3A_619 : memref<64x128xf32, #tpu.memory_space<hbm>>) dst(%dma_wait3A_616 : memref<64x128xf32, #tpu.memory_space<vmem>>)
    %dma_wait3A_620 = arith.constant 0 : i32
    %dma_wait3A_621 = arith.constant 0 : i32
    %dma_wait3A_622 = tpu.memref_slice %arg6[%dma_wait3A_620, %dma_wait3A_621] : memref<320x128xf32, #tpu.memory_space<vmem>> -> memref<64x128xf32, #tpu.memory_space<vmem>>
    %dma_wait3A_623 = arith.constant 0 : i32
    %dma_wait3A_624 = arith.constant 0 : i32
    %dma_wait3A_625 = tpu.memref_slice %arg2[%dma_wait3A_623, %dma_wait3A_624] : memref<320000x128xf32, #tpu.memory_space<hbm>> -> memref<64x128xf32, #tpu.memory_space<hbm>>
    %dma_wait3A_626 = arith.constant 0 : i32
    %dma_wait3A_627 = arith.constant 0 : i32
    %dma_wait3A_628 = tpu.memref_slice %arg6[%dma_wait3A_626, %dma_wait3A_627] : memref<320x128xf32, #tpu.memory_space<vmem>> -> memref<64x128xf32, #tpu.memory_space<vmem>>
    %dma_wait3A_629 = arith.constant 0 : i32
    %dma_wait3A_630 = arith.constant 0 : i32
    %dma_wait3A_631 = tpu.memref_slice %arg2[%dma_wait3A_629, %dma_wait3A_630] : memref<320000x128xf32, #tpu.memory_space<hbm>> -> memref<64x128xf32, #tpu.memory_space<hbm>>
    tpu.wait_dma2 semaphore(%arg7 : memref<!tpu.dma_semaphore, #tpu.memory_space<semaphore_mem>>) src(%dma_wait3A_631 : memref<64x128xf32, #tpu.memory_space<hbm>>) dst(%dma_wait3A_628 : memref<64x128xf32, #tpu.memory_space<vmem>>)
    %dma_wait3A_632 = arith.constant 0 : i32
    %dma_wait3A_633 = arith.constant 0 : i32
    %dma_wait3A_634 = tpu.memref_slice %arg6[%dma_wait3A_632, %dma_wait3A_633] : memref<320x128xf32, #tpu.memory_space<vmem>> -> memref<64x128xf32, #tpu.memory_space<vmem>>
    %dma_wait3A_635 = arith.constant 0 : i32
    %dma_wait3A_636 = arith.constant 0 : i32
    %dma_wait3A_637 = tpu.memref_slice %arg2[%dma_wait3A_635, %dma_wait3A_636] : memref<320000x128xf32, #tpu.memory_space<hbm>> -> memref<64x128xf32, #tpu.memory_space<hbm>>
    %dma_wait3A_638 = arith.constant 0 : i32
    %dma_wait3A_639 = arith.constant 0 : i32
    %dma_wait3A_640 = tpu.memref_slice %arg6[%dma_wait3A_638, %dma_wait3A_639] : memref<320x128xf32, #tpu.memory_space<vmem>> -> memref<64x128xf32, #tpu.memory_space<vmem>>
    %dma_wait3A_641 = arith.constant 0 : i32
    %dma_wait3A_642 = arith.constant 0 : i32
    %dma_wait3A_643 = tpu.memref_slice %arg2[%dma_wait3A_641, %dma_wait3A_642] : memref<320000x128xf32, #tpu.memory_space<hbm>> -> memref<64x128xf32, #tpu.memory_space<hbm>>
    tpu.wait_dma2 semaphore(%arg7 : memref<!tpu.dma_semaphore, #tpu.memory_space<semaphore_mem>>) src(%dma_wait3A_643 : memref<64x128xf32, #tpu.memory_space<hbm>>) dst(%dma_wait3A_640 : memref<64x128xf32, #tpu.memory_space<vmem>>)
    %dma_wait3A_644 = arith.constant 0 : i32
    %dma_wait3A_645 = arith.constant 0 : i32
    %dma_wait3A_646 = tpu.memref_slice %arg6[%dma_wait3A_644, %dma_wait3A_645] : memref<320x128xf32, #tpu.memory_space<vmem>> -> memref<64x128xf32, #tpu.memory_space<vmem>>
    %dma_wait3A_647 = arith.constant 0 : i32
    %dma_wait3A_648 = arith.constant 0 : i32
    %dma_wait3A_649 = tpu.memref_slice %arg2[%dma_wait3A_647, %dma_wait3A_648] : memref<320000x128xf32, #tpu.memory_space<hbm>> -> memref<64x128xf32, #tpu.memory_space<hbm>>
    %dma_wait3A_650 = arith.constant 0 : i32
    %dma_wait3A_651 = arith.constant 0 : i32
    %dma_wait3A_652 = tpu.memref_slice %arg6[%dma_wait3A_650, %dma_wait3A_651] : memref<320x128xf32, #tpu.memory_space<vmem>> -> memref<64x128xf32, #tpu.memory_space<vmem>>
    %dma_wait3A_653 = arith.constant 0 : i32
    %dma_wait3A_654 = arith.constant 0 : i32
    %dma_wait3A_655 = tpu.memref_slice %arg2[%dma_wait3A_653, %dma_wait3A_654] : memref<320000x128xf32, #tpu.memory_space<hbm>> -> memref<64x128xf32, #tpu.memory_space<hbm>>
    tpu.wait_dma2 semaphore(%arg7 : memref<!tpu.dma_semaphore, #tpu.memory_space<semaphore_mem>>) src(%dma_wait3A_655 : memref<64x128xf32, #tpu.memory_space<hbm>>) dst(%dma_wait3A_652 : memref<64x128xf32, #tpu.memory_space<vmem>>)
    %dma_wait3A_656 = arith.constant 0 : i32
    %dma_wait3A_657 = arith.constant 0 : i32
    %dma_wait3A_658 = tpu.memref_slice %arg6[%dma_wait3A_656, %dma_wait3A_657] : memref<320x128xf32, #tpu.memory_space<vmem>> -> memref<64x128xf32, #tpu.memory_space<vmem>>
    %dma_wait3A_659 = arith.constant 0 : i32
    %dma_wait3A_660 = arith.constant 0 : i32
    %dma_wait3A_661 = tpu.memref_slice %arg2[%dma_wait3A_659, %dma_wait3A_660] : memref<320000x128xf32, #tpu.memory_space<hbm>> -> memref<64x128xf32, #tpu.memory_space<hbm>>
    %dma_wait3A_662 = arith.constant 0 : i32
    %dma_wait3A_663 = arith.constant 0 : i32
    %dma_wait3A_664 = tpu.memref_slice %arg6[%dma_wait3A_662, %dma_wait3A_663] : memref<320x128xf32, #tpu.memory_space<vmem>> -> memref<64x128xf32, #tpu.memory_space<vmem>>
    %dma_wait3A_665 = arith.constant 0 : i32
    %dma_wait3A_666 = arith.constant 0 : i32
    %dma_wait3A_667 = tpu.memref_slice %arg2[%dma_wait3A_665, %dma_wait3A_666] : memref<320000x128xf32, #tpu.memory_space<hbm>> -> memref<64x128xf32, #tpu.memory_space<hbm>>
    tpu.wait_dma2 semaphore(%arg7 : memref<!tpu.dma_semaphore, #tpu.memory_space<semaphore_mem>>) src(%dma_wait3A_667 : memref<64x128xf32, #tpu.memory_space<hbm>>) dst(%dma_wait3A_664 : memref<64x128xf32, #tpu.memory_space<vmem>>)
    %dma_wait3A_668 = arith.constant 0 : i32
    %dma_wait3A_669 = arith.constant 0 : i32
    %dma_wait3A_670 = tpu.memref_slice %arg6[%dma_wait3A_668, %dma_wait3A_669] : memref<320x128xf32, #tpu.memory_space<vmem>> -> memref<64x128xf32, #tpu.memory_space<vmem>>
    %dma_wait3A_671 = arith.constant 0 : i32
    %dma_wait3A_672 = arith.constant 0 : i32
    %dma_wait3A_673 = tpu.memref_slice %arg2[%dma_wait3A_671, %dma_wait3A_672] : memref<320000x128xf32, #tpu.memory_space<hbm>> -> memref<64x128xf32, #tpu.memory_space<hbm>>
    %dma_wait3A_674 = arith.constant 0 : i32
    %dma_wait3A_675 = arith.constant 0 : i32
    %dma_wait3A_676 = tpu.memref_slice %arg6[%dma_wait3A_674, %dma_wait3A_675] : memref<320x128xf32, #tpu.memory_space<vmem>> -> memref<64x128xf32, #tpu.memory_space<vmem>>
    %dma_wait3A_677 = arith.constant 0 : i32
    %dma_wait3A_678 = arith.constant 0 : i32
    %dma_wait3A_679 = tpu.memref_slice %arg2[%dma_wait3A_677, %dma_wait3A_678] : memref<320000x128xf32, #tpu.memory_space<hbm>> -> memref<64x128xf32, #tpu.memory_space<hbm>>
    tpu.wait_dma2 semaphore(%arg7 : memref<!tpu.dma_semaphore, #tpu.memory_space<semaphore_mem>>) src(%dma_wait3A_679 : memref<64x128xf32, #tpu.memory_space<hbm>>) dst(%dma_wait3A_676 : memref<64x128xf32, #tpu.memory_space<vmem>>)
    %dma_wait3A_680 = arith.constant 0 : i32
    %dma_wait3A_681 = arith.constant 0 : i32
    %dma_wait3A_682 = tpu.memref_slice %arg6[%dma_wait3A_680, %dma_wait3A_681] : memref<320x128xf32, #tpu.memory_space<vmem>> -> memref<64x128xf32, #tpu.memory_space<vmem>>
    %dma_wait3A_683 = arith.constant 0 : i32
    %dma_wait3A_684 = arith.constant 0 : i32
    %dma_wait3A_685 = tpu.memref_slice %arg2[%dma_wait3A_683, %dma_wait3A_684] : memref<320000x128xf32, #tpu.memory_space<hbm>> -> memref<64x128xf32, #tpu.memory_space<hbm>>
    %dma_wait3A_686 = arith.constant 0 : i32
    %dma_wait3A_687 = arith.constant 0 : i32
    %dma_wait3A_688 = tpu.memref_slice %arg6[%dma_wait3A_686, %dma_wait3A_687] : memref<320x128xf32, #tpu.memory_space<vmem>> -> memref<64x128xf32, #tpu.memory_space<vmem>>
    %dma_wait3A_689 = arith.constant 0 : i32
    %dma_wait3A_690 = arith.constant 0 : i32
    %dma_wait3A_691 = tpu.memref_slice %arg2[%dma_wait3A_689, %dma_wait3A_690] : memref<320000x128xf32, #tpu.memory_space<hbm>> -> memref<64x128xf32, #tpu.memory_space<hbm>>
    tpu.wait_dma2 semaphore(%arg7 : memref<!tpu.dma_semaphore, #tpu.memory_space<semaphore_mem>>) src(%dma_wait3A_691 : memref<64x128xf32, #tpu.memory_space<hbm>>) dst(%dma_wait3A_688 : memref<64x128xf32, #tpu.memory_space<vmem>>)
    %dma_wait3A_692 = arith.constant 0 : i32
    %dma_wait3A_693 = arith.constant 0 : i32
    %dma_wait3A_694 = tpu.memref_slice %arg6[%dma_wait3A_692, %dma_wait3A_693] : memref<320x128xf32, #tpu.memory_space<vmem>> -> memref<64x128xf32, #tpu.memory_space<vmem>>
    %dma_wait3A_695 = arith.constant 0 : i32
    %dma_wait3A_696 = arith.constant 0 : i32
    %dma_wait3A_697 = tpu.memref_slice %arg2[%dma_wait3A_695, %dma_wait3A_696] : memref<320000x128xf32, #tpu.memory_space<hbm>> -> memref<64x128xf32, #tpu.memory_space<hbm>>
    %dma_wait3A_698 = arith.constant 0 : i32
    %dma_wait3A_699 = arith.constant 0 : i32
    %dma_wait3A_700 = tpu.memref_slice %arg6[%dma_wait3A_698, %dma_wait3A_699] : memref<320x128xf32, #tpu.memory_space<vmem>> -> memref<64x128xf32, #tpu.memory_space<vmem>>
    %dma_wait3A_701 = arith.constant 0 : i32
    %dma_wait3A_702 = arith.constant 0 : i32
    %dma_wait3A_703 = tpu.memref_slice %arg2[%dma_wait3A_701, %dma_wait3A_702] : memref<320000x128xf32, #tpu.memory_space<hbm>> -> memref<64x128xf32, #tpu.memory_space<hbm>>
    tpu.wait_dma2 semaphore(%arg7 : memref<!tpu.dma_semaphore, #tpu.memory_space<semaphore_mem>>) src(%dma_wait3A_703 : memref<64x128xf32, #tpu.memory_space<hbm>>) dst(%dma_wait3A_700 : memref<64x128xf32, #tpu.memory_space<vmem>>)
    %dma_wait3A_704 = arith.constant 0 : i32
    %dma_wait3A_705 = arith.constant 0 : i32
    %dma_wait3A_706 = tpu.memref_slice %arg6[%dma_wait3A_704, %dma_wait3A_705] : memref<320x128xf32, #tpu.memory_space<vmem>> -> memref<64x128xf32, #tpu.memory_space<vmem>>
    %dma_wait3A_707 = arith.constant 0 : i32
    %dma_wait3A_708 = arith.constant 0 : i32
    %dma_wait3A_709 = tpu.memref_slice %arg2[%dma_wait3A_707, %dma_wait3A_708] : memref<320000x128xf32, #tpu.memory_space<hbm>> -> memref<64x128xf32, #tpu.memory_space<hbm>>
    %dma_wait3A_710 = arith.constant 0 : i32
    %dma_wait3A_711 = arith.constant 0 : i32
    %dma_wait3A_712 = tpu.memref_slice %arg6[%dma_wait3A_710, %dma_wait3A_711] : memref<320x128xf32, #tpu.memory_space<vmem>> -> memref<64x128xf32, #tpu.memory_space<vmem>>
    %dma_wait3A_713 = arith.constant 0 : i32
    %dma_wait3A_714 = arith.constant 0 : i32
    %dma_wait3A_715 = tpu.memref_slice %arg2[%dma_wait3A_713, %dma_wait3A_714] : memref<320000x128xf32, #tpu.memory_space<hbm>> -> memref<64x128xf32, #tpu.memory_space<hbm>>
    tpu.wait_dma2 semaphore(%arg7 : memref<!tpu.dma_semaphore, #tpu.memory_space<semaphore_mem>>) src(%dma_wait3A_715 : memref<64x128xf32, #tpu.memory_space<hbm>>) dst(%dma_wait3A_712 : memref<64x128xf32, #tpu.memory_space<vmem>>)
    %dma_wait3A_716 = arith.constant 0 : i32
    %dma_wait3A_717 = arith.constant 0 : i32
    %dma_wait3A_718 = tpu.memref_slice %arg6[%dma_wait3A_716, %dma_wait3A_717] : memref<320x128xf32, #tpu.memory_space<vmem>> -> memref<64x128xf32, #tpu.memory_space<vmem>>
    %dma_wait3A_719 = arith.constant 0 : i32
    %dma_wait3A_720 = arith.constant 0 : i32
    %dma_wait3A_721 = tpu.memref_slice %arg2[%dma_wait3A_719, %dma_wait3A_720] : memref<320000x128xf32, #tpu.memory_space<hbm>> -> memref<64x128xf32, #tpu.memory_space<hbm>>
    %dma_wait3A_722 = arith.constant 0 : i32
    %dma_wait3A_723 = arith.constant 0 : i32
    %dma_wait3A_724 = tpu.memref_slice %arg6[%dma_wait3A_722, %dma_wait3A_723] : memref<320x128xf32, #tpu.memory_space<vmem>> -> memref<64x128xf32, #tpu.memory_space<vmem>>
    %dma_wait3A_725 = arith.constant 0 : i32
    %dma_wait3A_726 = arith.constant 0 : i32
    %dma_wait3A_727 = tpu.memref_slice %arg2[%dma_wait3A_725, %dma_wait3A_726] : memref<320000x128xf32, #tpu.memory_space<hbm>> -> memref<64x128xf32, #tpu.memory_space<hbm>>
    tpu.wait_dma2 semaphore(%arg7 : memref<!tpu.dma_semaphore, #tpu.memory_space<semaphore_mem>>) src(%dma_wait3A_727 : memref<64x128xf32, #tpu.memory_space<hbm>>) dst(%dma_wait3A_724 : memref<64x128xf32, #tpu.memory_space<vmem>>)
    %dma_wait3A_728 = arith.constant 0 : i32
    %dma_wait3A_729 = arith.constant 0 : i32
    %dma_wait3A_730 = tpu.memref_slice %arg6[%dma_wait3A_728, %dma_wait3A_729] : memref<320x128xf32, #tpu.memory_space<vmem>> -> memref<64x128xf32, #tpu.memory_space<vmem>>
    %dma_wait3A_731 = arith.constant 0 : i32
    %dma_wait3A_732 = arith.constant 0 : i32
    %dma_wait3A_733 = tpu.memref_slice %arg2[%dma_wait3A_731, %dma_wait3A_732] : memref<320000x128xf32, #tpu.memory_space<hbm>> -> memref<64x128xf32, #tpu.memory_space<hbm>>
    %dma_wait3A_734 = arith.constant 0 : i32
    %dma_wait3A_735 = arith.constant 0 : i32
    %dma_wait3A_736 = tpu.memref_slice %arg6[%dma_wait3A_734, %dma_wait3A_735] : memref<320x128xf32, #tpu.memory_space<vmem>> -> memref<64x128xf32, #tpu.memory_space<vmem>>
    %dma_wait3A_737 = arith.constant 0 : i32
    %dma_wait3A_738 = arith.constant 0 : i32
    %dma_wait3A_739 = tpu.memref_slice %arg2[%dma_wait3A_737, %dma_wait3A_738] : memref<320000x128xf32, #tpu.memory_space<hbm>> -> memref<64x128xf32, #tpu.memory_space<hbm>>
    tpu.wait_dma2 semaphore(%arg7 : memref<!tpu.dma_semaphore, #tpu.memory_space<semaphore_mem>>) src(%dma_wait3A_739 : memref<64x128xf32, #tpu.memory_space<hbm>>) dst(%dma_wait3A_736 : memref<64x128xf32, #tpu.memory_space<vmem>>)
    %dma_wait3A_740 = arith.constant 0 : i32
    %dma_wait3A_741 = arith.constant 0 : i32
    %dma_wait3A_742 = tpu.memref_slice %arg6[%dma_wait3A_740, %dma_wait3A_741] : memref<320x128xf32, #tpu.memory_space<vmem>> -> memref<64x128xf32, #tpu.memory_space<vmem>>
    %dma_wait3A_743 = arith.constant 0 : i32
    %dma_wait3A_744 = arith.constant 0 : i32
    %dma_wait3A_745 = tpu.memref_slice %arg2[%dma_wait3A_743, %dma_wait3A_744] : memref<320000x128xf32, #tpu.memory_space<hbm>> -> memref<64x128xf32, #tpu.memory_space<hbm>>
    %dma_wait3A_746 = arith.constant 0 : i32
    %dma_wait3A_747 = arith.constant 0 : i32
    %dma_wait3A_748 = tpu.memref_slice %arg6[%dma_wait3A_746, %dma_wait3A_747] : memref<320x128xf32, #tpu.memory_space<vmem>> -> memref<64x128xf32, #tpu.memory_space<vmem>>
    %dma_wait3A_749 = arith.constant 0 : i32
    %dma_wait3A_750 = arith.constant 0 : i32
    %dma_wait3A_751 = tpu.memref_slice %arg2[%dma_wait3A_749, %dma_wait3A_750] : memref<320000x128xf32, #tpu.memory_space<hbm>> -> memref<64x128xf32, #tpu.memory_space<hbm>>
    tpu.wait_dma2 semaphore(%arg7 : memref<!tpu.dma_semaphore, #tpu.memory_space<semaphore_mem>>) src(%dma_wait3A_751 : memref<64x128xf32, #tpu.memory_space<hbm>>) dst(%dma_wait3A_748 : memref<64x128xf32, #tpu.memory_space<vmem>>)
    %dma_wait3A_752 = arith.constant 0 : i32
    %dma_wait3A_753 = arith.constant 0 : i32
    %dma_wait3A_754 = tpu.memref_slice %arg6[%dma_wait3A_752, %dma_wait3A_753] : memref<320x128xf32, #tpu.memory_space<vmem>> -> memref<64x128xf32, #tpu.memory_space<vmem>>
    %dma_wait3A_755 = arith.constant 0 : i32
    %dma_wait3A_756 = arith.constant 0 : i32
    %dma_wait3A_757 = tpu.memref_slice %arg2[%dma_wait3A_755, %dma_wait3A_756] : memref<320000x128xf32, #tpu.memory_space<hbm>> -> memref<64x128xf32, #tpu.memory_space<hbm>>
    %dma_wait3A_758 = arith.constant 0 : i32
    %dma_wait3A_759 = arith.constant 0 : i32
    %dma_wait3A_760 = tpu.memref_slice %arg6[%dma_wait3A_758, %dma_wait3A_759] : memref<320x128xf32, #tpu.memory_space<vmem>> -> memref<64x128xf32, #tpu.memory_space<vmem>>
    %dma_wait3A_761 = arith.constant 0 : i32
    %dma_wait3A_762 = arith.constant 0 : i32
    %dma_wait3A_763 = tpu.memref_slice %arg2[%dma_wait3A_761, %dma_wait3A_762] : memref<320000x128xf32, #tpu.memory_space<hbm>> -> memref<64x128xf32, #tpu.memory_space<hbm>>
    tpu.wait_dma2 semaphore(%arg7 : memref<!tpu.dma_semaphore, #tpu.memory_space<semaphore_mem>>) src(%dma_wait3A_763 : memref<64x128xf32, #tpu.memory_space<hbm>>) dst(%dma_wait3A_760 : memref<64x128xf32, #tpu.memory_space<vmem>>)
    %dma_wait3A_764 = arith.constant 0 : i32
    %dma_wait3A_765 = arith.constant 0 : i32
    %dma_wait3A_766 = tpu.memref_slice %arg6[%dma_wait3A_764, %dma_wait3A_765] : memref<320x128xf32, #tpu.memory_space<vmem>> -> memref<64x128xf32, #tpu.memory_space<vmem>>
    %dma_wait3A_767 = arith.constant 0 : i32
    %dma_wait3A_768 = arith.constant 0 : i32
    %dma_wait3A_769 = tpu.memref_slice %arg2[%dma_wait3A_767, %dma_wait3A_768] : memref<320000x128xf32, #tpu.memory_space<hbm>> -> memref<64x128xf32, #tpu.memory_space<hbm>>
    %dma_wait3A_770 = arith.constant 0 : i32
    %dma_wait3A_771 = arith.constant 0 : i32
    %dma_wait3A_772 = tpu.memref_slice %arg6[%dma_wait3A_770, %dma_wait3A_771] : memref<320x128xf32, #tpu.memory_space<vmem>> -> memref<64x128xf32, #tpu.memory_space<vmem>>
    %dma_wait3A_773 = arith.constant 0 : i32
    %dma_wait3A_774 = arith.constant 0 : i32
    %dma_wait3A_775 = tpu.memref_slice %arg2[%dma_wait3A_773, %dma_wait3A_774] : memref<320000x128xf32, #tpu.memory_space<hbm>> -> memref<64x128xf32, #tpu.memory_space<hbm>>
    tpu.wait_dma2 semaphore(%arg7 : memref<!tpu.dma_semaphore, #tpu.memory_space<semaphore_mem>>) src(%dma_wait3A_775 : memref<64x128xf32, #tpu.memory_space<hbm>>) dst(%dma_wait3A_772 : memref<64x128xf32, #tpu.memory_space<vmem>>)
    "tpu.region"() ({
      %run_scoped3A = tpu.sem_alloc : memref<!tpu.dma_semaphore, #tpu.memory_space<semaphore_mem>>
      %dma_start3A_776 = arith.constant 0 : i32
      %dma_start3A_777 = tpu.memref_slice %arg4[%mul3A_2, %dma_start3A_776] : memref<10240x128xf32, #tpu.memory_space<hbm>> -> memref<320x128xf32, #tpu.memory_space<hbm>>
      %dma_start3A_778 = arith.constant 0 : i32
      %dma_start3A_779 = tpu.memref_slice %arg4[%mul3A_2, %dma_start3A_778] : memref<10240x128xf32, #tpu.memory_space<hbm>> -> memref<320x128xf32, #tpu.memory_space<hbm>>
      tpu.enqueue_dma source(%arg6 : memref<320x128xf32, #tpu.memory_space<vmem>>) target(%dma_start3A_779 : memref<320x128xf32, #tpu.memory_space<hbm>>) target_semaphore(%run_scoped3A : memref<!tpu.dma_semaphore, #tpu.memory_space<semaphore_mem>>)
      %dma_wait3A_780 = arith.constant 0 : i32
      %dma_wait3A_781 = tpu.memref_slice %arg4[%mul3A_2, %dma_wait3A_780] : memref<10240x128xf32, #tpu.memory_space<hbm>> -> memref<320x128xf32, #tpu.memory_space<hbm>>
      %dma_wait3A_782 = arith.constant 0 : i32
      %dma_wait3A_783 = tpu.memref_slice %arg4[%mul3A_2, %dma_wait3A_782] : memref<10240x128xf32, #tpu.memory_space<hbm>> -> memref<320x128xf32, #tpu.memory_space<hbm>>
      tpu.wait_dma2 semaphore(%run_scoped3A : memref<!tpu.dma_semaphore, #tpu.memory_space<semaphore_mem>>) src(%arg6 : memref<320x128xf32, #tpu.memory_space<vmem>>) dst(%dma_wait3A_783 : memref<320x128xf32, #tpu.memory_space<hbm>>)
      tpu.yield
    }) : () -> ()
    return
  }
}

module attributes {stable_mosaic.version = 14 : i64} {
  func.func @_matmul_body(%arg0: i32, %arg1: i32, %arg2: memref<1000x128xf32, #tpu.memory_space<vmem>>, %arg3: memref<128x1024xf32, #tpu.memory_space<vmem>>, %arg4: memref<1x128xf32, #tpu.memory_space<vmem>>, %arg5: memref<8x1000x128xf32, #tpu.memory_space<vmem>>) attributes {dimension_semantics = [#tpu.dimension_semantics<parallel>, #tpu.dimension_semantics<parallel>], iteration_bounds = array<i64: 4, 10>, scalar_prefetch = 0 : i64, scratch_operands = 0 : i64, tpu.core_type = #tpu.core_type<tc>, window_params = [{transform_indices = @transform_0, window_bounds = array<i64: 1000, 128>}, {transform_indices = @transform_1, window_bounds = array<i64: 128, 1024>}, {pipeline_mode = #tpu.pipeline_mode<synchronous>, transform_indices = @transform_2, window_bounds = array<i64: 1, 128>}, {transform_indices = @transform_3, window_bounds = array<i64: 8, 1000, 128>}]} {
    %get3A = arith.constant 0 : index
    %get3A_0 = arith.constant 0 : index
    %get3A_1 = vector.load %arg2[%get3A, %get3A_0] : memref<1000x128xf32, #tpu.memory_space<vmem>>, vector<1000x128xf32>
    %get3A_2 = arith.constant 0 : index
    %get3A_3 = arith.constant 0 : index
    %get3A_4 = vector.load %arg3[%get3A_2, %get3A_3] : memref<128x1024xf32, #tpu.memory_space<vmem>>, vector<128x1024xf32>
    %dot_general3A = arith.constant dense<0.000000e+00> : vector<1000x1024xf32>
    %dot_general3A_5 = tpu.matmul %get3A_1, %get3A_4, %dot_general3A {dimension_numbers = #tpu.dot_dimension_numbers<[1], [0], [0], [1], [0, 0, 1, 1], [], []>, transpose_lhs_hint = false} : vector<1000x128xf32>, vector<128x1024xf32>, vector<1000x1024xf32> -> vector<1000x1024xf32>
    %slice3A = vector.extract_strided_slice %dot_general3A_5 {offsets = [0, 0], sizes = [1000, 128], strides = [1, 1]} : vector<1000x1024xf32> to vector<1000x128xf32>
    %eq3A = arith.constant 0 : i32
    %eq3A_6 = arith.cmpi eq, %arg0, %eq3A : i32
    %convert_element_type3A = arith.extui %eq3A_6 : i1 to i32
    %cond3A = arith.constant 0 : i32
    %cond3A_7 = arith.cmpi ne, %convert_element_type3A, %cond3A : i32
    scf.if %cond3A_7 {
      %get3A_60 = arith.constant 0 : index
      %get3A_61 = arith.constant 0 : index
      %get3A_62 = vector.load %arg4[%get3A_60, %get3A_61] : memref<1x128xf32, #tpu.memory_space<vmem>>, vector<1x128xf32>
      %add3A = vector.broadcast %get3A_62 : vector<1x128xf32> to vector<1000x128xf32>
      %add3A_63 = arith.addf %slice3A, %add3A : vector<1000x128xf32>
      %swap3A_64 = arith.constant 0 : index
      %swap3A_65 = arith.constant 0 : index
      %swap3A_66 = arith.constant 0 : index
      %swap3A_67 = vector.load %arg5[%swap3A_64, %swap3A_65, %swap3A_66] : memref<8x1000x128xf32, #tpu.memory_space<vmem>>, vector<1x1000x128xf32>
      %swap3A_68 = vector.shape_cast %swap3A_67 : vector<1x1000x128xf32> to vector<1000x128xf32>
      %swap3A_69 = vector.shape_cast %add3A_63 : vector<1000x128xf32> to vector<1x1000x128xf32>
      tpu.vector_store %arg5[%swap3A_64, %swap3A_65, %swap3A_66], %swap3A_69 {strides = array<i32>} : memref<8x1000x128xf32, #tpu.memory_space<vmem>>, vector<1x1000x128xf32>,
    } else {
    }
    %ne3A = arith.constant 0 : i32
    %ne3A_8 = arith.cmpi ne, %arg0, %ne3A : i32
    %convert_element_type3A_9 = arith.extui %ne3A_8 : i1 to i32
    %cond3A_10 = arith.constant 0 : i32
    %cond3A_11 = arith.cmpi ne, %convert_element_type3A_9, %cond3A_10 : i32
    scf.if %cond3A_11 {
      %swap3A_60 = arith.constant 0 : index
      %swap3A_61 = arith.constant 0 : index
      %swap3A_62 = arith.constant 0 : index
      %swap3A_63 = vector.load %arg5[%swap3A_60, %swap3A_61, %swap3A_62] : memref<8x1000x128xf32, #tpu.memory_space<vmem>>, vector<1x1000x128xf32>
      %swap3A_64 = vector.shape_cast %swap3A_63 : vector<1x1000x128xf32> to vector<1000x128xf32>
      %swap3A_65 = vector.shape_cast %slice3A : vector<1000x128xf32> to vector<1x1000x128xf32>
      tpu.vector_store %arg5[%swap3A_60, %swap3A_61, %swap3A_62], %swap3A_65 {strides = array<i32>} : memref<8x1000x128xf32, #tpu.memory_space<vmem>>, vector<1x1000x128xf32>,
    } else {
    }
    %slice3A_12 = vector.extract_strided_slice %dot_general3A_5 {offsets = [0, 128], sizes = [1000, 128], strides = [1, 1]} : vector<1000x1024xf32> to vector<1000x128xf32>
    %swap3A = arith.constant 1 : index
    %swap3A_13 = arith.constant 0 : index
    %swap3A_14 = arith.constant 0 : index
    %swap3A_15 = vector.load %arg5[%swap3A, %swap3A_13, %swap3A_14] : memref<8x1000x128xf32, #tpu.memory_space<vmem>>, vector<1x1000x128xf32>
    %swap3A_16 = vector.shape_cast %swap3A_15 : vector<1x1000x128xf32> to vector<1000x128xf32>
    %swap3A_17 = vector.shape_cast %slice3A_12 : vector<1000x128xf32> to vector<1x1000x128xf32>
    tpu.vector_store %arg5[%swap3A, %swap3A_13, %swap3A_14], %swap3A_17 {strides = array<i32>} : memref<8x1000x128xf32, #tpu.memory_space<vmem>>, vector<1x1000x128xf32>,
    %slice3A_18 = vector.extract_strided_slice %dot_general3A_5 {offsets = [0, 256], sizes = [1000, 128], strides = [1, 1]} : vector<1000x1024xf32> to vector<1000x128xf32>
    %swap3A_19 = arith.constant 2 : index
    %swap3A_20 = arith.constant 0 : index
    %swap3A_21 = arith.constant 0 : index
    %swap3A_22 = vector.load %arg5[%swap3A_19, %swap3A_20, %swap3A_21] : memref<8x1000x128xf32, #tpu.memory_space<vmem>>, vector<1x1000x128xf32>
    %swap3A_23 = vector.shape_cast %swap3A_22 : vector<1x1000x128xf32> to vector<1000x128xf32>
    %swap3A_24 = vector.shape_cast %slice3A_18 : vector<1000x128xf32> to vector<1x1000x128xf32>
    tpu.vector_store %arg5[%swap3A_19, %swap3A_20, %swap3A_21], %swap3A_24 {strides = array<i32>} : memref<8x1000x128xf32, #tpu.memory_space<vmem>>, vector<1x1000x128xf32>,
    %slice3A_25 = vector.extract_strided_slice %dot_general3A_5 {offsets = [0, 384], sizes = [1000, 128], strides = [1, 1]} : vector<1000x1024xf32> to vector<1000x128xf32>
    %swap3A_26 = arith.constant 3 : index
    %swap3A_27 = arith.constant 0 : index
    %swap3A_28 = arith.constant 0 : index
    %swap3A_29 = vector.load %arg5[%swap3A_26, %swap3A_27, %swap3A_28] : memref<8x1000x128xf32, #tpu.memory_space<vmem>>, vector<1x1000x128xf32>
    %swap3A_30 = vector.shape_cast %swap3A_29 : vector<1x1000x128xf32> to vector<1000x128xf32>
    %swap3A_31 = vector.shape_cast %slice3A_25 : vector<1000x128xf32> to vector<1x1000x128xf32>
    tpu.vector_store %arg5[%swap3A_26, %swap3A_27, %swap3A_28], %swap3A_31 {strides = array<i32>} : memref<8x1000x128xf32, #tpu.memory_space<vmem>>, vector<1x1000x128xf32>,
    %slice3A_32 = vector.extract_strided_slice %dot_general3A_5 {offsets = [0, 512], sizes = [1000, 128], strides = [1, 1]} : vector<1000x1024xf32> to vector<1000x128xf32>
    %swap3A_33 = arith.constant 4 : index
    %swap3A_34 = arith.constant 0 : index
    %swap3A_35 = arith.constant 0 : index
    %swap3A_36 = vector.load %arg5[%swap3A_33, %swap3A_34, %swap3A_35] : memref<8x1000x128xf32, #tpu.memory_space<vmem>>, vector<1x1000x128xf32>
    %swap3A_37 = vector.shape_cast %swap3A_36 : vector<1x1000x128xf32> to vector<1000x128xf32>
    %swap3A_38 = vector.shape_cast %slice3A_32 : vector<1000x128xf32> to vector<1x1000x128xf32>
    tpu.vector_store %arg5[%swap3A_33, %swap3A_34, %swap3A_35], %swap3A_38 {strides = array<i32>} : memref<8x1000x128xf32, #tpu.memory_space<vmem>>, vector<1x1000x128xf32>,
    %slice3A_39 = vector.extract_strided_slice %dot_general3A_5 {offsets = [0, 640], sizes = [1000, 128], strides = [1, 1]} : vector<1000x1024xf32> to vector<1000x128xf32>
    %swap3A_40 = arith.constant 5 : index
    %swap3A_41 = arith.constant 0 : index
    %swap3A_42 = arith.constant 0 : index
    %swap3A_43 = vector.load %arg5[%swap3A_40, %swap3A_41, %swap3A_42] : memref<8x1000x128xf32, #tpu.memory_space<vmem>>, vector<1x1000x128xf32>
    %swap3A_44 = vector.shape_cast %swap3A_43 : vector<1x1000x128xf32> to vector<1000x128xf32>
    %swap3A_45 = vector.shape_cast %slice3A_39 : vector<1000x128xf32> to vector<1x1000x128xf32>
    tpu.vector_store %arg5[%swap3A_40, %swap3A_41, %swap3A_42], %swap3A_45 {strides = array<i32>} : memref<8x1000x128xf32, #tpu.memory_space<vmem>>, vector<1x1000x128xf32>,
    %slice3A_46 = vector.extract_strided_slice %dot_general3A_5 {offsets = [0, 768], sizes = [1000, 128], strides = [1, 1]} : vector<1000x1024xf32> to vector<1000x128xf32>
    %swap3A_47 = arith.constant 6 : index
    %swap3A_48 = arith.constant 0 : index
    %swap3A_49 = arith.constant 0 : index
    %swap3A_50 = vector.load %arg5[%swap3A_47, %swap3A_48, %swap3A_49] : memref<8x1000x128xf32, #tpu.memory_space<vmem>>, vector<1x1000x128xf32>
    %swap3A_51 = vector.shape_cast %swap3A_50 : vector<1x1000x128xf32> to vector<1000x128xf32>
    %swap3A_52 = vector.shape_cast %slice3A_46 : vector<1000x128xf32> to vector<1x1000x128xf32>
    tpu.vector_store %arg5[%swap3A_47, %swap3A_48, %swap3A_49], %swap3A_52 {strides = array<i32>} : memref<8x1000x128xf32, #tpu.memory_space<vmem>>, vector<1x1000x128xf32>,
    %slice3A_53 = vector.extract_strided_slice %dot_general3A_5 {offsets = [0, 896], sizes = [1000, 128], strides = [1, 1]} : vector<1000x1024xf32> to vector<1000x128xf32>
    %swap3A_54 = arith.constant 7 : index
    %swap3A_55 = arith.constant 0 : index
    %swap3A_56 = arith.constant 0 : index
    %swap3A_57 = vector.load %arg5[%swap3A_54, %swap3A_55, %swap3A_56] : memref<8x1000x128xf32, #tpu.memory_space<vmem>>, vector<1x1000x128xf32>
    %swap3A_58 = vector.shape_cast %swap3A_57 : vector<1x1000x128xf32> to vector<1000x128xf32>
    %swap3A_59 = vector.shape_cast %slice3A_53 : vector<1000x128xf32> to vector<1x1000x128xf32>
    tpu.vector_store %arg5[%swap3A_54, %swap3A_55, %swap3A_56], %swap3A_59 {strides = array<i32>} : memref<8x1000x128xf32, #tpu.memory_space<vmem>>, vector<1x1000x128xf32>,
    return
  }
  func.func @transform_0(%arg0: i32, %arg1: i32) -> (i32, i32) {
    %c0_i32 = arith.constant 0 : i32
    %c0_i32_0 = arith.constant 0 : i32
    return %arg1, %c0_i32 : i32, i32
  }
  func.func @transform_1(%arg0: i32, %arg1: i32) -> (i32, i32) {
    %c0_i32 = arith.constant 0 : i32
    %c0_i32_0 = arith.constant 0 : i32
    return %c0_i32, %arg0 : i32, i32
  }
  func.func @transform_2(%arg0: i32, %arg1: i32) -> (i32, i32) {
    %c0_i32 = arith.constant 0 : i32
    %c0_i32_0 = arith.constant 0 : i32
    %c0_i32_1 = arith.constant 0 : i32
    return %c0_i32, %c0_i32_0 : i32, i32
  }
  func.func @transform_3(%arg0: i32, %arg1: i32) -> (i32, i32, i32) {
    %c0_i32 = arith.constant 0 : i32
    %c0_i32_0 = arith.constant 0 : i32
    return %arg0, %arg1, %c0_i32 : i32, i32, i32
  }
}

</mosaic_0001>

<sc_bundles>
// kernel: kernel.4.cloned.1.call-start
scs
__scs_entry_jumppad:
0x0: {  	(pc) =	sbr.rel $0x88, $3  }
0x1: {  	(tag) =	ssettag $0x0;
	lr =	simm.s32 $0x1  }
0x2: {  	[smem:$0x3F9D] =	sst lr;
	_ =	strace $0xD0000000  }
0x3: {  	_ = 	snop  }
0x4: {  	_ = 	snop  }
0x5: {  	_ = 	snop  }
0x6: {  	_ = 	snop  }
0x7: {  	_ = 	snop  }
__scs_overlays_trampoline_lowered:
0x8: {  	[smem:$0x3FAC] =	sst s0  }
0x9: {  	[smem:$0x3FAD] =	sst s1  }
0xa: {  	[smem:$0x3FAE] =	sst s2  }
0xb: {  	[smem:$0x3FAF] =	sst s3  }
0xc: {  	[smem:$0x3FB0] =	sst s4  }
0xd: {  	[smem:$0x3FB1] =	sst s5  }
0xe: {  	[smem:$0x3FB2] =	sst s6  }
0xf: {  	[smem:$0x3FB3] =	sst s7  }
0x10: {  	[smem:$0x3FB4] =	sst s8  }
0x11: {  	[smem:$0x3FB5] =	sst s9;
	s0 =	simm.s32 @!p0 $0x0  }
0x12: {  	s1 =	sld [smem:$0x3F9B];
	s0 =	simm.s32 @p0 $0x1  }
0x13: {  	[smem:$0x3FB6] =	sst s0;
	s0 =	simm.s32 @!p1 $0x0  }
0x14: {  	s2 =	sld [smem:$0x3F9A];
	s0 =	simm.s32 @p1 $0x1  }
0x15: {  	[smem:$0x3FB7] =	sst s0;
	s0 =	simm.s32 @!p2 $0x0  }
0x16: {  	s3 =	sld [smem:$0x3FDB];
	s0 =	simm.s32 @p2 $0x1  }
0x17: {  	s4 =	simm.s32 $0x1BF5;
	[smem:$0x3FB9] =	sst s0  }
0x18: {  	s0 =	sld [smem:$0x3F9C];
	_ =	swait.ge [sflag:s4], $0x0  }
0x19: {  	s7 =	sld [smem:$0x3F9D]  }
0x1a: {  	s8 =	sadd.s32 $0xFFFFE003, lr  }
0x1b: {  	s9 =	sadd.s32 $0xFFFFFEF7, lr;
	s5 =	simm.s32 $0xFFFFFFFF;
	p2 =	slt.u32 s8, $0xFFFFF086  }
0x1c: {  	p1 =	slt.u32 s9, $0xF7A;
	s5 =	simm.s32 @!p2 $0x0  }
0x1d: {  	s5 =	simm.s32 @p1 $0x1;
	p0 =	seq.s32 s7, s2  }
0x1e: {  	s7 =	smul.u32 @!p0 $0xF7A, s2;
	p2 =	seq.s32 @!p0 s5, $0x0  }
0x1f: {  	s9 =	smul.u32 $0xF7A, s1;
	s8 =	simm.s32 @!p0 $0x1BF5;
	p2 =	por !p2, p0  }
0x20: {  	[sflag:s8] =	ssyncset.s32 @!p0 $0xFFFFF086;
	s6 =	sadd.s32 @!p0 s3, s7;
	s7 =	simm.s32 @!p0 $0x108  }
0x21: {  	s3 =	sadd.s32 s3, s9;
	s6 =	sadd.s32 @!p0 $0x88, s6;
	s7 =	simm.s32 @p2 $0x1082  }
0x22: {  	[simem:s7], [sflag:s8] =	dma.local @!p0 [hbm:s6], $0xF7A  }
0x23: {  	s9 =	sor.u32 $0xD0000000, s2;
	s6 =	simm.s32 $0x108;
	_ =	swait.ge @!p0 [sflag:s8], $0x0  }
0x24: {  	s3 =	sadd.s32 $0x88, s3;
	s6 =	simm.s32 @!p1 $0x1082;
	[sflag:s4] =	ssyncset.s32 $0xFFFFF086  }
0x25: {  	[simem:s6], [sflag:s4] =	dma.local [hbm:s3], $0xF7A  }
0x26: {  	[smem:$0x3F9D] =	sst s1;
	(tag) =	ssettag s2;
	_ =	strace s9  }
0x27: {  	s1 =	sld [smem:$0x3FAD]  }
0x28: {  	s2 =	sld [smem:$0x3FAE]  }
0x29: {  	s4 =	sld [smem:$0x3FB0]  }
0x2a: {  	p0 =	seq.s32 s5, $0x0;
	s5 =	sld [smem:$0x3FB1]  }
0x2b: {  	s6 =	sld [smem:$0x3FB2]  }
0x2c: {  	s7 =	sld [smem:$0x3FB3]  }
0x2d: {  	s3 =	simm.s32 $0x108;
	s8 =	sld [smem:$0x3FB4]  }
0x2e: {  	s3 =	simm.s32 @!p0 $0x1082;
	s9 =	sld [smem:$0x3FB5]  }
0x2f: {  	lr =	sadd.s32 s0, s3;
	s0 =	sld [smem:$0x3FAC]  }
0x30: {  	s3 =	sld [smem:$0x3FAF]  }
0x31: {  	[smem:$0x3FB8] =	sst s10  }
0x32: {  	s10 =	sld [smem:$0x3FB6];
	_ =	sdelay $0x3  }
0x33: {  	p0 =	seq.s32 s10, $0x1;
	s10 =	sld [smem:$0x3FB8];
	_ =	sdelay $0x3  }
0x34: {  	[smem:$0x3FB8] =	sst s10  }
0x35: {  	s10 =	sld [smem:$0x3FB7];
	_ =	sdelay $0x3  }
0x36: {  	p1 =	seq.s32 s10, $0x1;
	s10 =	sld [smem:$0x3FB8];
	_ =	sdelay $0x3  }
0x37: {  	[smem:$0x3FB8] =	sst s10  }
0x38: {  	s10 =	sld [smem:$0x3FB9]  }
0x39: {  	_ = 	snop;
	(pc) =	sbr.ind lr, $3  }
0x3a: {  	_ = 	snop  }
0x3b: {  	_ = 	snop  }
0x3c: {  	p2 =	seq.s32 s10, $0x1;
	s10 =	sld [smem:$0x3FB8]  }
0x3d: {  	_ =	shalt  }
0x3e: {  	_ =	shalt  }
0x3f: {  	_ =	shalt  }
0x40: {  	_ =	shalt  }
0x41: {  	_ =	shalt  }
0x42: {  	_ =	shalt  }
0x43: {  	_ =	shalt  }
0x44: {  	_ =	shalt  }
0x45: {  	_ =	shalt  }
0x46: {  	_ =	shalt  }
0x47: {  	_ =	shalt  }
0x48: {  	_ =	shalt  }
0x49: {  	_ =	shalt  }
0x4a: {  	_ =	shalt  }
0x4b: {  	_ =	shalt  }
0x4c: {  	_ =	shalt  }
0x4d: {  	_ =	shalt  }
0x4e: {  	_ =	shalt  }
0x4f: {  	_ =	shalt  }
0x50: {  	_ =	shalt  }
0x51: {  	_ =	shalt  }
0x52: {  	_ =	shalt  }
0x53: {  	_ =	shalt  }
0x54: {  	_ =	shalt  }
0x55: {  	_ =	shalt  }
0x56: {  	_ =	shalt  }
0x57: {  	_ =	shalt  }
0x58: {  	_ =	shalt  }
0x59: {  	_ =	shalt  }
0x5a: {  	_ =	shalt  }
0x5b: {  	_ =	shalt  }
0x5c: {  	_ =	shalt  }
0x5d: {  	_ =	shalt  }
0x5e: {  	_ =	shalt  }
0x5f: {  	_ =	shalt  }
0x60: {  	_ =	shalt  }
0x61: {  	_ =	shalt  }
0x62: {  	_ =	shalt  }
0x63: {  	_ =	shalt  }
0x64: {  	_ =	shalt  }
0x65: {  	_ =	shalt  }
0x66: {  	_ =	shalt  }
0x67: {  	_ =	shalt  }
0x68: {  	_ =	shalt  }
0x69: {  	_ =	shalt  }
0x6a: {  	_ =	shalt  }
0x6b: {  	_ =	shalt  }
0x6c: {  	_ =	shalt  }
0x6d: {  	_ =	shalt  }
0x6e: {  	_ =	shalt  }
0x6f: {  	_ =	shalt  }
0x70: {  	_ =	shalt  }
0x71: {  	_ =	shalt  }
0x72: {  	_ =	shalt  }
0x73: {  	_ =	shalt  }
0x74: {  	_ =	shalt  }
0x75: {  	_ =	shalt  }
0x76: {  	_ =	shalt  }
0x77: {  	_ =	shalt  }
0x78: {  	_ =	shalt  }
0x79: {  	_ =	shalt  }
0x7a: {  	_ =	shalt  }
0x7b: {  	_ =	shalt  }
0x7c: {  	_ =	shalt  }
0x7d: {  	_ =	shalt  }
0x7e: {  	_ =	shalt  }
0x7f: {  	_ =	shalt  }
0x80: {  	_ =	shalt  }
0x81: {  	_ =	shalt  }
0x82: {  	_ =	shalt  }
0x83: {  	_ =	shalt  }
0x84: {  	_ =	shalt  }
0x85: {  	_ =	shalt  }
0x86: {  	_ =	shalt  }
0x87: {  	_ =	shalt  }
.Lfunc_end0:
.L_simem_size_0:
called_computation_lowered:
.L_overlay_start_0:
0x88: {  	s2 =	sld [smem:$0x3FD9]  }
0x89: {  	s3 =	sld [smem:$0x3FFE];
	_ =	sdelay $0x1  }
0x8a: {  	s1 =	srdreg.scid  }
0x8b: {  	s0 =	sand.u32 $0x1, s1  }
0x8c: {  	s17 =	sshll.u32 s0, $0xA;
	s2 =	sadd.s32 s3, s2  }
0x8d: {  	s2 =	sadd.s32 s2, s17  }
0x8e: {  	[smem:$0x3FC4] =	sst s2  }
0x8f: {  	_ = 	snop  }
0x90: {  	s2 =	sld [smem:$0x3FD0];
	(tm) =	ssettm $0x1  }
0x91: {  	s18 =	sld [smem:$0x3FFB];
	_ =	sdelay $0x3  }
0x92: {  	_ =	strace s18  }
0x93: {  	s3 =	sld [smem:$0x3FFC];
	_ =	sdelay $0x3  }
0x94: {  	_ =	strace s3  }
0x95: {  	s3 =	sld [smem:$0x3FFD];
	_ =	sdelay $0x3  }
0x96: {  	_ =	strace s3  }
0x97: {  	_ =	strace $0x8FFFFFFF  }
0x98: {  	s19 =	sld [smem:$0x3FDB];
	_ =	sdelay $0x1  }
0x99: {  	s4 =	simm.s32 $_scs_section_size  }
0x9a: {  	s5 =	simm.s32 $_size__tile_overlayer_lowered;
	s6 =	simm.s32 $_tile_overlayer_lowered  }
0x9b: {  	s22 =	simm.s32 $0x1BFF;
	s21 =	sshll.u32 s6, $0x1;
	s3 =	sadd.s32 s4, s19  }
0x9c: {  	s7 =	simm.s32 $0x0;
	s20 =	sshll.u32 s5, $0x1;
	s5 =	sadd.s32 s21, s3  }
0x9d: {  	[timem:s7], [sflag:s22] =	dma.local [hbm:s5], s20  }
0x9e: {  	_ =	swait.ge [sflag:s22], s20  }
0x9f: {  	s4 =	ssub.s32 $0x0, s20;
	[sflag:s22] =	ssyncset.done $0x0  }
0xa0: {  	[sflag:s22] =	ssyncadd.s32 s4;
	_ =	sdelay $0x1  }
0xa1: {  	s23 =	simm.s32 $0x1B8B  }
0xa2: {  	_ =	swait.ge [sflag:s23], $0x1  }
0xa3: {  	[sflag:s23] =	ssyncset.done $0x0  }
0xa4: {  	s25 =	simm.s32 $0x1B8E;
	s24 =	sld [smem:$0x3FFE];
	[sflag:s23] =	ssyncadd.s32 $0xFFFFFFFF  }
0xa5: {  	s26 =	simm.s32 $execute0_lowered;
	[smem:$0x3FD2] =	sst s25  }
0xa6: {  	s5 =	sshll.u32 s26, $0x1;
	_ =	strace $0x80000046;
	[dreg:$0x1] =	wrdreg $0xFFFFFFFF  }
0xa7: {  	s28 =	simm.s32 $_size_execute0_lowered;
	s3 =	sadd.s32 s3, s5;
	[dreg:$0x0] =	wrdreg $0x0  }
0xa8: {  	s5 =	sshll.u32 s28, $0x1;
	[dreg:$0x2] =	wrdreg s3  }
0xa9: {  	[dreg:$0x3] =	wrdreg s5  }
0xaa: {  	[dreg:$0x4] =	wrdreg $0xC0  }
0xab: {  	_ =	task [dreg:s7], $0x5FFFF  }
0xac: {  	[dreg:$0x1] =	wrdreg $0xFFFFFFFF  }
0xad: {  	[dreg:$0x0] =	wrdreg $0x60  }
0xae: {  	[dreg:$0x2] =	wrdreg s24  }
0xaf: {  	[dreg:$0x3] =	wrdreg s2  }
0xb0: {  	[dreg:$0x4] =	wrdreg $0x9  }
0xb1: {  	_ =	task.clear_ibuf [dreg:s7], $0x5FFFF;
	_ =	strace $0x90000046  }
0xb2: {  	s29 =	simm.s32 $0x9;
	_ =	strace $0x80000048  }
0xb3: {  	_ =	swait.ge [sflag:s29], $0x1  }
0xb4: {  	[sflag:s29] =	ssyncadd.s32 $0xFFFFFFFF  }
0xb5: {  	_ =	strace $0x90000048  }
0xb6: {  	_ =	sfence  }
0xb7: {  	s30 =	sld [smem:$0x0];
	_ =	sdelay $0x2  }
0xb8: {  	s31 =	sshll.u32 s1, $0xD;
	s1 =	sshrl.u32 s1, $0x2  }
0xb9: {  	s3 =	sand.u32 $0x4000, s31;
	s1 =	sadd.s32 s1, s30  }
0xba: {  	s0 =	sor.u32 s3, s0;
	s1 =	sshll.u32 s1, $0x11  }
0xbb: {  	s0 =	sor.u32 s1, s0  }
0xbc: {  	s0 =	sadd.s32 $0x8F2B, s0  }
0xbd: {  	[sflag:s0] =	ssyncadd.remote.s32 $0x1  }
0xbe: {  	_ =	sfence.sel $0xFFFF  }
0xbf: {  	[dreg:$0x0] =	wrdreg $0xFFFFFFFF;
	(pc) =	sbr.abs _section_cstart, $3  }
0xc0: {  	[dreg:$0x1] =	wrdreg $0xFFFFFFFF  }
0xc1: {  	_ =	task.clear_ibuf [dreg:s7], $0x2FFFF;
	_ =	strace $0x9FFFFFFF  }
0xc2: {  	(tm) =	ssettm $0x7FFFFFFF  }
0xc3: {  	_ =	shalt  }
tec
execute0_lowered:
.L_overlay_start_1:
0x0: {  	(tag) =	ssettag $0x1  }
0x1: {  	s0 =	rddreg [dreg:$0x0];
	s1 =	srdreg.scid  }
0x2: {  	s2 =	stileid.u32;
	s4 =	rddreg [dreg:$0x1];
	s8 =	simm.s32 $0x40  }
0x3: {  	s9 =	simm.s32 $0x3000;
	s10 =	simm.s32 $0x5000;
	s12 =	simm.s32 $0x7000  }
0x4: {  	s14 =	simm.s32 $0x9000;
	s16 =	simm.s32 $0xB000;
	s17 =	simm.s32 $0x1  }
0x5: {  	s18 =	simm.s32 $0x640;
	s19 =	simm.s32 $0xA00;
	s20 =	simm.s32 $0x280  }
0x6: {  	s21 =	simm.s32 $0x2C0;
	s22 =	simm.s32 $0x680;
	s23 =	simm.s32 $0x6C0  }
0x7: {  	s24 =	simm.s32 $0xA80;
	s25 =	simm.s32 $0x300;
	s26 =	simm.s32 $0x340  }
0x8: {  	s28 =	simm.s32 $0x700;
	s1 =	sand.u32 $0x1, s1;
	s3 =	sshll.u32 s2, $0x1  }
0x9: {  	s29 =	simm.s32 $0x740;
	s30 =	simm.s32 $0xB00;
	s3 =	sor.u32 s1, s3  }
0xa: {  	s31 =	simm.s32 $0x0;
	s2 =	simm.s32 $0x0;
	s5 =	smul.u32 $0x1400, s3  }
0xb: {  	[smem:$0x7FF] =	sst s2;
	s1 =	ssub.s32 $0x2, s1;
	s7 =	smul.u32 $0x600, s3  }
0xc: {  	_ =	strace $0x80000047;
	s6 =	sshrl.u32 s1, $0x1;
	s3 =	sadd.s32 $0x1000, s0  }
0xd: {  	s1 =	ssub.s32 s1, s6;
	s0 =	sadd.s32 s5, s0;
	s4 =	sadd.s32 s4, s7  }
0xe: {  	s6 =	smax.u32 s1, $0x1;
	s7 =	simm.s32 $0x2;
	s5 =	sadd.s32 $0x4E3000, s0  }
.LBB2_1:
0xf: {  	[tilespmem:s2], [sflag:$0x2] =	stream.linear.gather [hbm4b:s4+s2], $0x3000, $0x38;
	[tilespmem:$0xD000] =	vst v63  }
0x10: {  	_ =	swait.ge [sflag:s7], $0x3000  }
0x11: {  	[sflag:s7] =	ssyncset.done $0x0  }
0x12: {  	[sflag:s7] =	ssyncadd.s32 $0xFFFFD000  }
0x13: {  	[tilespmem:s9], [sflag:$0x1] =	stream.indirect.gather [hbm4b:s3+s8], $0x80, s2, s8, $0xb8;
	[tilespmem:$0xD000] =	vst v63  }
0x14: {  	_ = 	snop  }
0x15: {  	[tilespmem:s10], [sflag:$0x1] =	stream.indirect.gather [hbm4b:s3+s8], $0x80, s8, s8, $0xb8;
	[tilespmem:$0xD000] =	vst v63  }
0x16: {  	s0 =	simm.s32 $0x400  }
0x17: {  	[tilespmem:s12], [sflag:$0x1] =	stream.indirect.gather [hbm4b:s3+s8], $0x80, s0, s8, $0xb8;
	[tilespmem:$0xD000] =	vst v63  }
0x18: {  	s1 =	simm.s32 $0x440  }
0x19: {  	[tilespmem:s14], [sflag:$0x1] =	stream.indirect.gather [hbm4b:s3+s8], $0x80, s1, s8, $0xb8;
	[tilespmem:$0xD000] =	vst v63  }
0x1a: {  	s11 =	simm.s32 $0x800  }
0x1b: {  	[tilespmem:s16], [sflag:$0x1] =	stream.indirect.gather [hbm4b:s3+s8], $0x80, s11, s8, $0xb8;
	[tilespmem:$0xD000] =	vst v63  }
0x1c: {  	_ =	swait.ge [sflag:s17], $0x2000  }
0x1d: {  	[sflag:s17] =	ssyncset.done $0x0  }
0x1e: {  	[sflag:s17] =	ssyncadd.s32 $0xFFFFE000  }
0x1f: {  	_ =	swait.ge [sflag:s17], $0x2000  }
0x20: {  	[sflag:s17] =	ssyncset.done $0x0  }
0x21: {  	[sflag:s17] =	ssyncadd.s32 $0xFFFFE000  }
0x22: {  	_ =	swait.ge [sflag:s17], $0x2000  }
0x23: {  	[sflag:s17] =	ssyncset.done $0x0  }
0x24: {  	[sflag:s17] =	ssyncadd.s32 $0xFFFFE000  }
0x25: {  	_ =	swait.ge [sflag:s17], $0x2000  }
0x26: {  	[sflag:s17] =	ssyncset.done $0x0  }
0x27: {  	[sflag:s17] =	ssyncadd.s32 $0xFFFFE000  }
0x28: {  	_ =	swait.ge [sflag:s17], $0x2000  }
0x29: {  	[sflag:s17] =	ssyncset.done $0x0  }
0x2a: {  	s13 =	simm.s32 $0x80;
	[sflag:s17] =	ssyncadd.s32 $0xFFFFE000  }
0x2b: {  	[tilespmem:s9], [sflag:$0x1] =	stream.indirect.gather.add.f32 [hbm:s3], $0x80, s13, s8, $0xb8;
	[tilespmem:$0xD000] =	vst v63  }
0x2c: {  	s15 =	simm.s32 $0xC0  }
0x2d: {  	[tilespmem:s10], [sflag:$0x1] =	stream.indirect.gather.add.f32 [hbm:s3], $0x80, s15, s8, $0xb8;
	[tilespmem:$0xD000] =	vst v63  }
0x2e: {  	s1 =	simm.s32 $0x480  }
0x2f: {  	[tilespmem:s12], [sflag:$0x1] =	stream.indirect.gather.add.f32 [hbm:s3], $0x80, s1, s8, $0xb8;
	[tilespmem:$0xD000] =	vst v63  }
0x30: {  	s11 =	simm.s32 $0x4C0  }
0x31: {  	[tilespmem:s14], [sflag:$0x1] =	stream.indirect.gather.add.f32 [hbm:s3], $0x80, s11, s8, $0xb8;
	[tilespmem:$0xD000] =	vst v63  }
0x32: {  	s13 =	simm.s32 $0x880  }
0x33: {  	[tilespmem:s16], [sflag:$0x1] =	stream.indirect.gather.add.f32 [hbm:s3], $0x80, s13, s8, $0xb8;
	[tilespmem:$0xD000] =	vst v63  }
0x34: {  	s15 =	simm.s32 $0x100  }
0x35: {  	[tilespmem:s9], [sflag:$0x1] =	stream.indirect.gather.add.f32 [hbm:s3], $0x80, s15, s8, $0xb8;
	[tilespmem:$0xD000] =	vst v63  }
0x36: {  	s1 =	simm.s32 $0x140  }
0x37: {  	[tilespmem:s10], [sflag:$0x1] =	stream.indirect.gather.add.f32 [hbm:s3], $0x80, s1, s8, $0xb8;
	[tilespmem:$0xD000] =	vst v63  }
0x38: {  	s11 =	simm.s32 $0x500  }
0x39: {  	[tilespmem:s12], [sflag:$0x1] =	stream.indirect.gather.add.f32 [hbm:s3], $0x80, s11, s8, $0xb8;
	[tilespmem:$0xD000] =	vst v63  }
0x3a: {  	s13 =	simm.s32 $0x540  }
0x3b: {  	[tilespmem:s14], [sflag:$0x1] =	stream.indirect.gather.add.f32 [hbm:s3], $0x80, s13, s8, $0xb8;
	[tilespmem:$0xD000] =	vst v63  }
0x3c: {  	s15 =	simm.s32 $0x900  }
0x3d: {  	[tilespmem:s16], [sflag:$0x1] =	stream.indirect.gather.add.f32 [hbm:s3], $0x80, s15, s8, $0xb8;
	[tilespmem:$0xD000] =	vst v63  }
0x3e: {  	s1 =	simm.s32 $0x180  }
0x3f: {  	[tilespmem:s9], [sflag:$0x1] =	stream.indirect.gather.add.f32 [hbm:s3], $0x80, s1, s8, $0xb8;
	[tilespmem:$0xD000] =	vst v63  }
0x40: {  	s11 =	simm.s32 $0x1C0  }
0x41: {  	[tilespmem:s10], [sflag:$0x1] =	stream.indirect.gather.add.f32 [hbm:s3], $0x80, s11, s8, $0xb8;
	[tilespmem:$0xD000] =	vst v63  }
0x42: {  	s13 =	simm.s32 $0x580  }
0x43: {  	[tilespmem:s12], [sflag:$0x1] =	stream.indirect.gather.add.f32 [hbm:s3], $0x80, s13, s8, $0xb8;
	[tilespmem:$0xD000] =	vst v63  }
0x44: {  	s15 =	simm.s32 $0x5C0  }
0x45: {  	[tilespmem:s14], [sflag:$0x1] =	stream.indirect.gather.add.f32 [hbm:s3], $0x80, s15, s8, $0xb8;
	[tilespmem:$0xD000] =	vst v63  }
0x46: {  	s1 =	simm.s32 $0x980  }
0x47: {  	[tilespmem:s16], [sflag:$0x1] =	stream.indirect.gather.add.f32 [hbm:s3], $0x80, s1, s8, $0xb8;
	[tilespmem:$0xD000] =	vst v63  }
0x48: {  	s11 =	simm.s32 $0x200  }
0x49: {  	[tilespmem:s9], [sflag:$0x1] =	stream.indirect.gather.add.f32 [hbm:s3], $0x80, s11, s8, $0xb8;
	[tilespmem:$0xD000] =	vst v63  }
0x4a: {  	s13 =	simm.s32 $0x240  }
0x4b: {  	[tilespmem:s10], [sflag:$0x1] =	stream.indirect.gather.add.f32 [hbm:s3], $0x80, s13, s8, $0xb8;
	[tilespmem:$0xD000] =	vst v63  }
0x4c: {  	s15 =	simm.s32 $0x600  }
0x4d: {  	[tilespmem:s12], [sflag:$0x1] =	stream.indirect.gather.add.f32 [hbm:s3], $0x80, s15, s8, $0xb8;
	[tilespmem:$0xD000] =	vst v63  }
0x4e: {  	_ = 	snop  }
0x4f: {  	[tilespmem:s14], [sflag:$0x1] =	stream.indirect.gather.add.f32 [hbm:s3], $0x80, s18, s8, $0xb8;
	[tilespmem:$0xD000] =	vst v63  }
0x50: {  	_ = 	snop  }
0x51: {  	[tilespmem:s16], [sflag:$0x1] =	stream.indirect.gather.add.f32 [hbm:s3], $0x80, s19, s8, $0xb8;
	[tilespmem:$0xD000] =	vst v63  }
0x52: {  	_ = 	snop  }
0x53: {  	[tilespmem:s9], [sflag:$0x1] =	stream.indirect.gather.add.f32 [hbm:s3], $0x80, s20, s8, $0xb8;
	[tilespmem:$0xD000] =	vst v63  }
0x54: {  	_ = 	snop  }
0x55: {  	[tilespmem:s10], [sflag:$0x1] =	stream.indirect.gather.add.f32 [hbm:s3], $0x80, s21, s8, $0xb8;
	[tilespmem:$0xD000] =	vst v63  }
0x56: {  	_ = 	snop  }
0x57: {  	[tilespmem:s12], [sflag:$0x1] =	stream.indirect.gather.add.f32 [hbm:s3], $0x80, s22, s8, $0xb8;
	[tilespmem:$0xD000] =	vst v63  }
0x58: {  	_ = 	snop  }
0x59: {  	[tilespmem:s14], [sflag:$0x1] =	stream.indirect.gather.add.f32 [hbm:s3], $0x80, s23, s8, $0xb8;
	[tilespmem:$0xD000] =	vst v63  }
0x5a: {  	_ = 	snop  }
0x5b: {  	[tilespmem:s16], [sflag:$0x1] =	stream.indirect.gather.add.f32 [hbm:s3], $0x80, s24, s8, $0xb8;
	[tilespmem:$0xD000] =	vst v63  }
0x5c: {  	_ = 	snop  }
0x5d: {  	[tilespmem:s9], [sflag:$0x1] =	stream.indirect.gather.add.f32 [hbm:s3], $0x80, s25, s8, $0xb8;
	[tilespmem:$0xD000] =	vst v63  }
0x5e: {  	_ = 	snop  }
0x5f: {  	[tilespmem:s10], [sflag:$0x1] =	stream.indirect.gather.add.f32 [hbm:s3], $0x80, s26, s8, $0xb8;
	[tilespmem:$0xD000] =	vst v63  }
0x60: {  	s1 =	simm.s32 $0x0  }
0x61: {  	[tilespmem:s12], [sflag:$0x1] =	stream.indirect.gather.add.f32 [hbm:s3], $0x80, s28, s8, $0xb8;
	[tilespmem:$0xD000] =	vst v63  }
0x62: {  	s0 =	smul.u32 $0x3000, s1;
	s1 =	simm.s32 $0x380  }
0x63: {  	[tilespmem:s14], [sflag:$0x1] =	stream.indirect.gather.add.f32 [hbm:s3], $0x80, s29, s8, $0xb8;
	[tilespmem:$0xD000] =	vst v63  }
0x64: {  	s1 =	sand.u32 $0x380, s1;
	s0 =	sshra.s32 s0, $0x2  }
0x65: {  	[tilespmem:s16], [sflag:$0x1] =	stream.indirect.gather.add.f32 [hbm:s3], $0x80, s30, s8, $0xb8;
	[tilespmem:$0xD000] =	vst v63  }
0x66: {  	s0 =	sor.u32 s1, s0  }
0x67: {  	[tilespmem:s9], [sflag:$0x1] =	stream.indirect.gather.add.f32 [hbm:s3], $0x80, s0, s8, $0xb8;
	[tilespmem:$0xD000] =	vst v63  }
0x68: {  	s1 =	sor.u32 $0x40, s0  }
0x69: {  	[tilespmem:s10], [sflag:$0x1] =	stream.indirect.gather.add.f32 [hbm:s3], $0x80, s1, s8, $0xb8;
	[tilespmem:$0xD000] =	vst v63  }
0x6a: {  	s11 =	sadd.s32 $0x400, s0  }
0x6b: {  	[tilespmem:s12], [sflag:$0x1] =	stream.indirect.gather.add.f32 [hbm:s3], $0x80, s11, s8, $0xb8;
	[tilespmem:$0xD000] =	vst v63  }
0x6c: {  	s13 =	sadd.s32 $0x440, s0  }
0x6d: {  	[tilespmem:s14], [sflag:$0x1] =	stream.indirect.gather.add.f32 [hbm:s3], $0x80, s13, s8, $0xb8;
	[tilespmem:$0xD000] =	vst v63  }
0x6e: {  	s0 =	sadd.s32 $0x800, s0  }
0x6f: {  	[tilespmem:s16], [sflag:$0x1] =	stream.indirect.gather.add.f32 [hbm:s3], $0x80, s0, s8, $0xb8;
	[tilespmem:$0xD000] =	vst v63  }
0x70: {  	_ =	swait.ge [sflag:s17], $0x2000  }
0x71: {  	[sflag:s17] =	ssyncset.done $0x0  }
0x72: {  	[sflag:s17] =	ssyncadd.s32 $0xFFFFE000  }
0x73: {  	_ =	swait.ge [sflag:s17], $0x2000  }
0x74: {  	[sflag:s17] =	ssyncset.done $0x0  }
0x75: {  	[sflag:s17] =	ssyncadd.s32 $0xFFFFE000  }
0x76: {  	_ =	swait.ge [sflag:s17], $0x2000  }
0x77: {  	[sflag:s17] =	ssyncset.done $0x0  }
0x78: {  	[sflag:s17] =	ssyncadd.s32 $0xFFFFE000  }
0x79: {  	_ =	swait.ge [sflag:s17], $0x2000  }
0x7a: {  	s15 =	simm.s32 $0x1;
	[sflag:s17] =	ssyncset.done $0x0  }
0x7b: {  	s1 =	simm.s32 $0x400;
	s13 =	smul.u32 $0x3000, s15;
	[sflag:s17] =	ssyncadd.s32 $0xFFFFE000  }
0x7c: {  	s11 =	sand.u32 $0x380, s1;
	_ =	swait.ge [sflag:s17], $0x2000  }
0x7d: {  	s0 =	simm.s32 $0x9;
	s13 =	sshra.s32 s13, $0x2;
	[sflag:s17] =	ssyncset.done $0x0  }
.LBB2_2:
0x7e: {  	s11 =	sor.u32 s11, s13  }
0x7f: {  	[sflag:s17] =	ssyncadd.s32 $0xFFFFE000;
	s13 =	smov.u32 s0;
	s15 =	sadd.s32 $0x1, s0  }
0x80: {  	[tilespmem:s9], [sflag:$0x1] =	stream.indirect.gather.add.f32 [hbm:s3], $0x80, s11, s8, $0xb8;
	[tilespmem:$0xD000] =	vst v63  }
0x81: {  	p0 =	sne.s32 s0, $0x1F;
	s0 =	sor.u32 $0x40, s11  }
0x82: {  	[tilespmem:s10], [sflag:$0x1] =	stream.indirect.gather.add.f32 [hbm:s3], $0x80, s0, s8, $0xb8;
	[tilespmem:$0xD000] =	vst v63  }
0x83: {  	s0 =	sadd.s32 $0x400, s11  }
0x84: {  	[tilespmem:s12], [sflag:$0x1] =	stream.indirect.gather.add.f32 [hbm:s3], $0x80, s0, s8, $0xb8;
	[tilespmem:$0xD000] =	vst v63  }
0x85: {  	s0 =	sadd.s32 $0x440, s11  }
0x86: {  	[tilespmem:s14], [sflag:$0x1] =	stream.indirect.gather.add.f32 [hbm:s3], $0x80, s0, s8, $0xb8;
	[tilespmem:$0xD000] =	vst v63  }
0x87: {  	s0 =	sadd.s32 $0x800, s11  }
0x88: {  	[tilespmem:s16], [sflag:$0x1] =	stream.indirect.gather.add.f32 [hbm:s3], $0x80, s0, s8, $0xb8;
	[tilespmem:$0xD000] =	vst v63  }
0x89: {  	_ =	swait.ge [sflag:s17], $0x2000  }
0x8a: {  	[sflag:s17] =	ssyncset.done $0x0  }
0x8b: {  	[sflag:s17] =	ssyncadd.s32 $0xFFFFE000  }
0x8c: {  	_ =	swait.ge [sflag:s17], $0x2000  }
0x8d: {  	[sflag:s17] =	ssyncset.done $0x0  }
0x8e: {  	[sflag:s17] =	ssyncadd.s32 $0xFFFFE000  }
0x8f: {  	_ =	swait.ge [sflag:s17], $0x2000  }
0x90: {  	[sflag:s17] =	ssyncset.done $0x0  }
0x91: {  	[sflag:s17] =	ssyncadd.s32 $0xFFFFE000  }
.Ltmp0:
0x92: {  	_ =	swait.ge [sflag:s17], $0x2000;
	(pc) =	sbr.rel @p0 .LBB2_2-.Ltmp0, $4  }
0x93: {  	s0 =	sshrl.u32 s13, $0x3;
	[sflag:s17] =	ssyncset.done $0x0  }
0x94: {  	s1 =	sadd.s32 $0x80, s1;
	s0 =	smul.u32 $0x3000, s0;
	[sflag:s17] =	ssyncadd.s32 $0xFFFFE000  }
0x95: {  	s11 =	sand.u32 $0x380, s1;
	_ =	swait.ge [sflag:s17], $0x2000  }
0x96: {  	s13 =	sshra.s32 s0, $0x2;
	s0 =	smov.u32 s15;
	[sflag:s17] =	ssyncset.done $0x0  }
0x97: {  	s0 =	sor.u32 s11, s13;
	[sflag:s17] =	ssyncadd.s32 $0xFFFFE000  }
0x98: {  	[tilespmem:s9], [sflag:$0x1] =	stream.indirect.gather.add.f32 [hbm:s3], $0x80, s0, s8, $0xb8;
	[tilespmem:$0xD000] =	vst v63  }
0x99: {  	s1 =	sor.u32 $0x40, s0  }
0x9a: {  	[tilespmem:s10], [sflag:$0x1] =	stream.indirect.gather.add.f32 [hbm:s3], $0x80, s1, s8, $0xb8;
	[tilespmem:$0xD000] =	vst v63  }
0x9b: {  	s13 =	sadd.s32 $0x400, s0  }
0x9c: {  	[tilespmem:s12], [sflag:$0x1] =	stream.indirect.gather.add.f32 [hbm:s3], $0x80, s13, s8, $0xb8;
	[tilespmem:$0xD000] =	vst v63  }
0x9d: {  	s15 =	sadd.s32 $0x440, s0  }
0x9e: {  	[tilespmem:s14], [sflag:$0x1] =	stream.indirect.gather.add.f32 [hbm:s3], $0x80, s15, s8, $0xb8;
	[tilespmem:$0xD000] =	vst v63  }
0x9f: {  	s0 =	sadd.s32 $0x800, s0  }
0xa0: {  	[tilespmem:s16], [sflag:$0x1] =	stream.indirect.gather.add.f32 [hbm:s3], $0x80, s0, s8, $0xb8;
	[tilespmem:$0xD000] =	vst v63  }
0xa1: {  	_ =	swait.ge [sflag:s17], $0x2000  }
0xa2: {  	[sflag:s17] =	ssyncset.done $0x0  }
0xa3: {  	[sflag:s17] =	ssyncadd.s32 $0xFFFFE000  }
0xa4: {  	_ =	swait.ge [sflag:s17], $0x2000  }
0xa5: {  	[sflag:s17] =	ssyncset.done $0x0  }
0xa6: {  	[sflag:s17] =	ssyncadd.s32 $0xFFFFE000  }
0xa7: {  	_ =	swait.ge [sflag:s17], $0x2000  }
0xa8: {  	[sflag:s17] =	ssyncset.done $0x0  }
0xa9: {  	[sflag:s17] =	ssyncadd.s32 $0xFFFFE000  }
0xaa: {  	_ =	swait.ge [sflag:s17], $0x2000  }
0xab: {  	[sflag:s17] =	ssyncset.done $0x0  }
0xac: {  	[sflag:s17] =	ssyncadd.s32 $0xFFFFE000  }
0xad: {  	_ =	swait.ge [sflag:s17], $0x2000  }
0xae: {  	[sflag:s17] =	ssyncset.done $0x0  }
0xaf: {  	[sflag:s17] =	ssyncadd.s32 $0xFFFFE000  }
0xb0: {  	_ =	swait.ge [sflag:s17], $0x2000  }
0xb1: {  	[sflag:s17] =	ssyncset.done $0x0  }
0xb2: {  	[sflag:s17] =	ssyncadd.s32 $0xFFFFE000  }
0xb3: {  	_ =	swait.ge [sflag:s17], $0x2000  }
0xb4: {  	[sflag:s17] =	ssyncset.done $0x0  }
0xb5: {  	[sflag:s17] =	ssyncadd.s32 $0xFFFFE000  }
0xb6: {  	_ =	swait.ge [sflag:s17], $0x2000  }
0xb7: {  	[sflag:s17] =	ssyncset.done $0x0  }
0xb8: {  	[sflag:s17] =	ssyncadd.s32 $0xFFFFE000  }
0xb9: {  	_ =	swait.ge [sflag:s17], $0x2000  }
0xba: {  	[sflag:s17] =	ssyncset.done $0x0  }
0xbb: {  	[sflag:s17] =	ssyncadd.s32 $0xFFFFE000  }
0xbc: {  	_ =	swait.ge [sflag:s17], $0x2000  }
0xbd: {  	[sflag:s17] =	ssyncset.done $0x0  }
0xbe: {  	[sflag:s17] =	ssyncadd.s32 $0xFFFFE000  }
0xbf: {  	_ =	swait.ge [sflag:s17], $0x2000  }
0xc0: {  	[sflag:s17] =	ssyncset.done $0x0  }
0xc1: {  	[sflag:s17] =	ssyncadd.s32 $0xFFFFE000  }
0xc2: {  	_ =	swait.ge [sflag:s17], $0x2000  }
0xc3: {  	[sflag:s17] =	ssyncset.done $0x0  }
0xc4: {  	[sflag:s17] =	ssyncadd.s32 $0xFFFFE000  }
0xc5: {  	_ =	swait.ge [sflag:s17], $0x2000  }
0xc6: {  	[sflag:s17] =	ssyncset.done $0x0  }
0xc7: {  	[sflag:s17] =	ssyncadd.s32 $0xFFFFE000  }
0xc8: {  	_ =	swait.ge [sflag:s17], $0x2000  }
0xc9: {  	[sflag:s17] =	ssyncset.done $0x0  }
0xca: {  	[sflag:s17] =	ssyncadd.s32 $0xFFFFE000  }
0xcb: {  	_ =	swait.ge [sflag:s17], $0x2000  }
0xcc: {  	[sflag:s17] =	ssyncset.done $0x0  }
0xcd: {  	[sflag:s17] =	ssyncadd.s32 $0xFFFFE000  }
0xce: {  	_ =	swait.ge [sflag:s17], $0x2000  }
0xcf: {  	[sflag:s17] =	ssyncset.done $0x0  }
0xd0: {  	[sflag:s17] =	ssyncadd.s32 $0xFFFFE000  }
0xd1: {  	_ =	swait.ge [sflag:s17], $0x2000  }
0xd2: {  	[sflag:s17] =	ssyncset.done $0x0  }
0xd3: {  	[sflag:s17] =	ssyncadd.s32 $0xFFFFE000  }
0xd4: {  	_ =	swait.ge [sflag:s17], $0x2000  }
0xd5: {  	[sflag:s17] =	ssyncset.done $0x0  }
0xd6: {  	[sflag:s17] =	ssyncadd.s32 $0xFFFFE000  }
0xd7: {  	_ =	swait.ge [sflag:s17], $0x2000  }
0xd8: {  	[sflag:s17] =	ssyncset.done $0x0  }
0xd9: {  	[sflag:s17] =	ssyncadd.s32 $0xFFFFE000  }
0xda: {  	_ =	swait.ge [sflag:s17], $0x2000  }
0xdb: {  	[sflag:s17] =	ssyncset.done $0x0  }
0xdc: {  	[sflag:s17] =	ssyncadd.s32 $0xFFFFE000  }
0xdd: {  	_ =	swait.ge [sflag:s17], $0x2000  }
0xde: {  	[sflag:s17] =	ssyncset.done $0x0  }
0xdf: {  	[sflag:s17] =	ssyncadd.s32 $0xFFFFE000  }
0xe0: {  	_ =	swait.ge [sflag:s17], $0x2000  }
0xe1: {  	[sflag:s17] =	ssyncset.done $0x0  }
0xe2: {  	[sflag:s17] =	ssyncadd.s32 $0xFFFFE000  }
0xe3: {  	_ =	swait.ge [sflag:s17], $0x2000  }
0xe4: {  	[sflag:s17] =	ssyncset.done $0x0  }
0xe5: {  	[sflag:s17] =	ssyncadd.s32 $0xFFFFE000  }
0xe6: {  	_ =	swait.ge [sflag:s17], $0x2000  }
0xe7: {  	[sflag:s17] =	ssyncset.done $0x0  }
0xe8: {  	[sflag:s17] =	ssyncadd.s32 $0xFFFFE000  }
0xe9: {  	_ =	swait.ge [sflag:s17], $0x2000  }
0xea: {  	[sflag:s17] =	ssyncset.done $0x0  }
0xeb: {  	[sflag:s17] =	ssyncadd.s32 $0xFFFFE000  }
0xec: {  	_ =	swait.ge [sflag:s17], $0x2000  }
0xed: {  	[sflag:s17] =	ssyncset.done $0x0  }
0xee: {  	[sflag:s17] =	ssyncadd.s32 $0xFFFFE000  }
0xef: {  	_ =	swait.ge [sflag:s17], $0x2000  }
0xf0: {  	[sflag:s17] =	ssyncset.done $0x0  }
0xf1: {  	[sflag:s17] =	ssyncadd.s32 $0xFFFFE000  }
0xf2: {  	_ =	swait.ge [sflag:s17], $0x2000  }
0xf3: {  	[sflag:s17] =	ssyncset.done $0x0  }
0xf4: {  	[sflag:s17] =	ssyncadd.s32 $0xFFFFE000  }
0xf5: {  	_ =	swait.ge [sflag:s17], $0x2000  }
0xf6: {  	[sflag:s17] =	ssyncset.done $0x0  }
0xf7: {  	[sflag:s17] =	ssyncadd.s32 $0xFFFFE000  }
0xf8: {  	_ =	swait.ge [sflag:s17], $0x2000  }
0xf9: {  	[sflag:s17] =	ssyncset.done $0x0  }
0xfa: {  	[sflag:s17] =	ssyncadd.s32 $0xFFFFE000  }
0xfb: {  	_ =	swait.ge [sflag:s17], $0x2000  }
0xfc: {  	[sflag:s17] =	ssyncset.done $0x0  }
0xfd: {  	[sflag:s17] =	ssyncadd.s32 $0xFFFFE000  }
0xfe: {  	_ =	swait.ge [sflag:s17], $0x2000  }
0xff: {  	[sflag:s17] =	ssyncset.done $0x0  }
0x100: {  	[sflag:s17] =	ssyncadd.s32 $0xFFFFE000  }
0x101: {  	_ =	swait.ge [sflag:s17], $0x2000  }
0x102: {  	[sflag:s17] =	ssyncset.done $0x0  }
0x103: {  	[sflag:s17] =	ssyncadd.s32 $0xFFFFE000  }
0x104: {  	_ =	swait.ge [sflag:s17], $0x2000  }
0x105: {  	[sflag:s17] =	ssyncset.done $0x0  }
0x106: {  	[sflag:s17] =	ssyncadd.s32 $0xFFFFE000  }
0x107: {  	s31 =	sadd.s32 $0x1, s31;
	_ =	swait.ge [sflag:s17], $0x2000  }
0x108: {  	p0 =	sne.s32 s31, s6;
	[sflag:s17] =	ssyncset.done $0x0  }
.Ltmp1:
0x109: {  	[sflag:s17] =	ssyncadd.s32 $0xFFFFE000;
	(pc) =	sbr.rel @p0 .LBB2_1-.Ltmp1, $4  }
0x10a: {  	[hbm4b:s5+s2] =	stream.linear.scatter [tilespmem:s9], [sflag:$0x2], $0xA000, $0x38;
	[tilespmem:$0xD000] =	vst v63  }
0x10b: {  	_ =	swait.ge [sflag:s7], $0xA000  }
0x10c: {  	[sflag:s7] =	ssyncset.done $0x0  }
0x10d: {  	[sflag:s7] =	ssyncadd.s32 $0xFFFF6000  }
0x10e: {  	_ =	sfence.sel $0x180000  }
0x10f: {  	[bflag:$0x0] =	sbarrier.arrive $0xFFFF  }
0x110: {  	_ =	strace $0x90000047  }
0x111: {  	s0 =	stileid.u32;
	[bflag:$0x2] =	sbarrier.arrive $0xFFFF  }
0x112: {  	p0 =	sne.s32 s0, $0x0;
	s0 =	rddreg [dreg:$0x2]  }
0x113: {  	s0 =	sadd.s32 @!p0 $0x100000, s0  }
0x114: {  	[sflag:s0] =	ssyncadd.tile.s32 @!p0 $0x1;
	_ =	shalt  }
.Lfunc_end2:
_tile_overlayer_lowered:
.L_overlay_start_2:
0x115: {  	(tag) =	ssettag $0x2  }
0x116: {  	s0 =	rddreg [dreg:$0x0];
	s2 =	stileid.u32  }
0x117: {  	s1 =	rddreg [dreg:$0x1];
	p0 =	sne.s32 s2, $0x0  }
0x118: {  	s3 =	rddreg [dreg:$0x2];
	[bflag:$0x3] =	sbarrier.arrive $0xFFFF;
	s2 =	simm.s32 @!p0 $0x1C02  }
0x119: {  	[timem:s3], [sflag:s2] =	dma.local @!p0 [hbm:s0], s1  }
0x11a: {  	s0 =	simm.s32 @!p0 $0x2  }
0x11b: {  	_ =	swait.ge @!p0 [sflag:s0], s1  }
0x11c: {  	s1 =	ssub.s32 @!p0 $0x0, s1;
	[sflag:s0] =	ssyncset.done @!p0 $0x0  }
0x11d: {  	[sflag:s0] =	ssyncadd.s32 @!p0 s1  }
0x11e: {  	[bflag:$0x3] =	sbarrier.arrive $0xFFFF  }
0x11f: {  	_ =	shalt  }

</sc_bundles>
